<compile_context>
chip_gen: v7x
topology: tpu7x:2x2x1
jax: 0.10.2.dev20260603
libtpu: 0.0.44.dev20260713+nightly
codegen_flags: <defaults>
</compile_context>

<pallas_src>
import functools

import jax
import jax.numpy as jnp
from jax import lax
from jax.experimental import pallas as pl
from jax.experimental.pallas import tpu as pltpu
from jax.experimental.pallas import tpu_sc as plsc

_VOCAB = 1000000
_D = 64
_B = 4096
_H = 200
_TOTAL = _B * _H
_NC, _NS = 2, 16
_NW = _NC * _NS
_PER_W = _TOTAL // _NW
_CHUNK = 128
_NCHUNK = _PER_W // _CHUNK
_NBUF = 8
_NGRP = _NCHUNK // _NBUF


def _sc_gather(idx, weights):
    mesh = plsc.VectorSubcoreMesh(core_axis_name="c", subcore_axis_name="s")

    @functools.partial(
        pl.kernel,
        out_type=jax.ShapeDtypeStruct((_TOTAL, _D), jnp.float32),
        mesh=mesh,
        scratch_types=[
            pltpu.VMEM((_NCHUNK, _CHUNK), jnp.int32),
            [pltpu.VMEM((_CHUNK, _D), jnp.float32) for _ in range(_NBUF)],
            [pltpu.SemaphoreType.DMA for _ in range(_NBUF)],
            [pltpu.SemaphoreType.DMA for _ in range(_NBUF)],
            pltpu.SemaphoreType.DMA,
        ],
        compiler_params=pltpu.CompilerParams(use_tc_tiling_on_sc=False),
    )
    def body(idx_hbm, w_hbm, out_hbm, idx_v, rows_v, gsem, wsem, isem):
        wid = lax.axis_index("s") * _NC + lax.axis_index("c")
        pltpu.async_copy(idx_hbm.at[wid], idx_v, isem).wait()
        base = wid * _PER_W

        def step(g, carry):
            gd = [
                pltpu.async_copy(
                    w_hbm.at[idx_v.at[g * _NBUF + b]], rows_v[b], gsem[b])
                for b in range(_NBUF)
            ]
            wd = []
            for b in range(_NBUF):
                gd[b].wait()
                chunk = g * _NBUF + b
                wd.append(pltpu.async_copy(
                    rows_v[b],
                    out_hbm.at[pl.ds(base + chunk * _CHUNK, _CHUNK)],
                    wsem[b]))
            for b in range(_NBUF):
                wd[b].wait()
            return carry

        lax.fori_loop(0, _NGRP, step, 0)

    return body(idx, weights)


def kernel(inputs, weights):
    idx = inputs.reshape(_NW, _NCHUNK, _CHUNK)
    out = _sc_gather(idx, weights)
    return out.reshape(_B, _H, _D)

# --- scband reference (transcript-rebuilt; emitter-appended) ---
"""Pipeline reference for scband-fast-text-64759516889390 (READ-ONLY COPY).

The authoritative reference and input builder live on the scoring server;
editing this copy changes nothing except your own understanding.
"""

import jax, jax.numpy as jnp
import numpy as np

VOCAB = 1000000
EMBED_DIM = 64
BATCH = 4096
HIST = 200

def setup_inputs(seed: int = 0) -> dict:
    key = jax.random.key(seed)
    k1, k2 = jax.random.split(key)
    inputs = jax.random.randint(k1, (BATCH, HIST), 0, VOCAB, dtype=jnp.int64 if jax.config.read('jax_enable_x64') else jnp.int32).astype(jnp.int32)
    weights = jax.random.normal(k2, (VOCAB, EMBED_DIM), dtype=jnp.float32)
    return {"inputs": inputs, "weights": weights}

def reference(inputs, weights):
    # Faithful translation of tf.nn.embedding_lookup(self.weights, inputs)
    return jnp.take(weights, inputs, axis=0)

if __name__ == "__main__":
    import jax
    _d = setup_inputs()
    print(jax.jit(kernel)(*tuple(_d.values())))

</pallas_src>

<mosaic_0001>
#map = affine_map<(d0, d1) -> (0, 0, 0)>
#map1 = affine_map<(d0, d1) -> (0, 0)>
module attributes {stable_mosaic.version = 14 : i64} {
  func.func @body(%arg0: i32, %arg1: i32, %arg2: memref<32x200x128xi32, #tpu.memory_space<hbm>>, %arg3: memref<1000000x64xf32, #tpu.memory_space<hbm>>, %arg4: memref<819200x64xf32, #tpu.memory_space<hbm>>, %arg5: memref<200x128xi32, #tpu.memory_space<vmem>>, %arg6: memref<128x64xf32, #tpu.memory_space<vmem>>, %arg7: memref<128x64xf32, #tpu.memory_space<vmem>>, %arg8: memref<128x64xf32, #tpu.memory_space<vmem>>, %arg9: memref<128x64xf32, #tpu.memory_space<vmem>>, %arg10: memref<128x64xf32, #tpu.memory_space<vmem>>, %arg11: memref<128x64xf32, #tpu.memory_space<vmem>>, %arg12: memref<128x64xf32, #tpu.memory_space<vmem>>, %arg13: memref<128x64xf32, #tpu.memory_space<vmem>>, %arg14: memref<!tpu.dma_semaphore, #tpu.memory_space<semaphore_mem>>, %arg15: memref<!tpu.dma_semaphore, #tpu.memory_space<semaphore_mem>>, %arg16: memref<!tpu.dma_semaphore, #tpu.memory_space<semaphore_mem>>, %arg17: memref<!tpu.dma_semaphore, #tpu.memory_space<semaphore_mem>>, %arg18: memref<!tpu.dma_semaphore, #tpu.memory_space<semaphore_mem>>, %arg19: memref<!tpu.dma_semaphore, #tpu.memory_space<semaphore_mem>>, %arg20: memref<!tpu.dma_semaphore, #tpu.memory_space<semaphore_mem>>, %arg21: memref<!tpu.dma_semaphore, #tpu.memory_space<semaphore_mem>>, %arg22: memref<!tpu.dma_semaphore, #tpu.memory_space<semaphore_mem>>, %arg23: memref<!tpu.dma_semaphore, #tpu.memory_space<semaphore_mem>>, %arg24: memref<!tpu.dma_semaphore, #tpu.memory_space<semaphore_mem>>, %arg25: memref<!tpu.dma_semaphore, #tpu.memory_space<semaphore_mem>>, %arg26: memref<!tpu.dma_semaphore, #tpu.memory_space<semaphore_mem>>, %arg27: memref<!tpu.dma_semaphore, #tpu.memory_space<semaphore_mem>>, %arg28: memref<!tpu.dma_semaphore, #tpu.memory_space<semaphore_mem>>, %arg29: memref<!tpu.dma_semaphore, #tpu.memory_space<semaphore_mem>>, %arg30: memref<!tpu.dma_semaphore, #tpu.memory_space<semaphore_mem>>) attributes {dimension_semantics = [#tpu.dimension_semantics<core_parallel>, #tpu.dimension_semantics<subcore_parallel>], iteration_bounds = array<i64: 2, 16>, scalar_prefetch = 0 : i64, scratch_operands = 26 : i64, tpu.core_type = #tpu.core_type<sc_vector_subcore>, window_params = [{transform_indices = #map}, {transform_indices = #map1}, {transform_indices = #map1}]} {
    %mul3A = arith.constant 2 : i32
    %mul3A_0 = arith.muli %arg1, %mul3A : i32
    %add3A = arith.addi %mul3A_0, %arg0 : i32
    %dma_start3A = arith.constant 0 : i32
    %dma_start3A_1 = arith.constant 0 : i32
    %dma_start3A_2 = tpu.memref_slice %arg2[%add3A, %dma_start3A, %dma_start3A_1] : memref<32x200x128xi32, #tpu.memory_space<hbm>> -> memref<1x200x128xi32, #tpu.memory_space<hbm>>
    %dma_start3A_3 = tpu.memref_squeeze %dma_start3A_2 : memref<1x200x128xi32, #tpu.memory_space<hbm>> -> memref<200x128xi32, #tpu.memory_space<hbm>>
    %dma_start3A_4 = arith.constant 0 : i32
    %dma_start3A_5 = arith.constant 0 : i32
    %dma_start3A_6 = tpu.memref_slice %arg2[%add3A, %dma_start3A_4, %dma_start3A_5] : memref<32x200x128xi32, #tpu.memory_space<hbm>> -> memref<1x200x128xi32, #tpu.memory_space<hbm>>
    %dma_start3A_7 = tpu.memref_squeeze %dma_start3A_6 : memref<1x200x128xi32, #tpu.memory_space<hbm>> -> memref<200x128xi32, #tpu.memory_space<hbm>>
    tpu.enqueue_dma source(%dma_start3A_7 : memref<200x128xi32, #tpu.memory_space<hbm>>) target(%arg5 : memref<200x128xi32, #tpu.memory_space<vmem>>) target_semaphore(%arg30 : memref<!tpu.dma_semaphore, #tpu.memory_space<semaphore_mem>>)
    %dma_wait3A = arith.constant 0 : i32
    %dma_wait3A_8 = arith.constant 0 : i32
    %dma_wait3A_9 = tpu.memref_slice %arg2[%add3A, %dma_wait3A, %dma_wait3A_8] : memref<32x200x128xi32, #tpu.memory_space<hbm>> -> memref<1x200x128xi32, #tpu.memory_space<hbm>>
    %dma_wait3A_10 = tpu.memref_squeeze %dma_wait3A_9 : memref<1x200x128xi32, #tpu.memory_space<hbm>> -> memref<200x128xi32, #tpu.memory_space<hbm>>
    %dma_wait3A_11 = arith.constant 0 : i32
    %dma_wait3A_12 = arith.constant 0 : i32
    %dma_wait3A_13 = tpu.memref_slice %arg2[%add3A, %dma_wait3A_11, %dma_wait3A_12] : memref<32x200x128xi32, #tpu.memory_space<hbm>> -> memref<1x200x128xi32, #tpu.memory_space<hbm>>
    %dma_wait3A_14 = tpu.memref_squeeze %dma_wait3A_13 : memref<1x200x128xi32, #tpu.memory_space<hbm>> -> memref<200x128xi32, #tpu.memory_space<hbm>>
    tpu.wait_dma2 semaphore(%arg30 : memref<!tpu.dma_semaphore, #tpu.memory_space<semaphore_mem>>) src(%dma_wait3A_14 : memref<200x128xi32, #tpu.memory_space<hbm>>) dst(%arg5 : memref<200x128xi32, #tpu.memory_space<vmem>>)
    %mul3A_15 = arith.constant 25600 : i32
    %mul3A_16 = arith.muli %add3A, %mul3A_15 : i32
    %scan3A = arith.constant 0 : i32
    %scan3A_17 = arith.constant 0 : i32
    %scan3A_18 = arith.constant 25 : i32
    %scan3A_19 = arith.addi %scan3A_17, %scan3A_18 : i32
    %scan3A_20 = arith.constant 1 : i32
    scf.for %scan3A_22 = %scan3A_17 to %scan3A_19 step %scan3A_20  : i32 {
      %mul3A_23 = arith.constant 8 : i32
      %mul3A_24 = arith.muli %scan3A_22, %mul3A_23 : i32
      %add3A_25 = arith.constant 0 : i32
      %add3A_26 = arith.addi %mul3A_24, %add3A_25 : i32
      %dma_start3A_27 = arith.constant 0 : i32
      %dma_start3A_28 = tpu.memref_slice %arg5[%add3A_26, %dma_start3A_27] : memref<200x128xi32, #tpu.memory_space<vmem>> -> memref<1x128xi32, #tpu.memory_space<vmem>>
      %dma_start3A_29 = tpu.memref_squeeze %dma_start3A_28 : memref<1x128xi32, #tpu.memory_space<vmem>> -> memref<128xi32, #tpu.memory_space<vmem>>
      %dma_start3A_30 = arith.constant 0 : i32
      %dma_start3A_31 = arith.constant 0 : i32
      %dma_start3A_32 = tpu.memref_slice %arg3[%dma_start3A_30, %dma_start3A_31] : memref<1000000x64xf32, #tpu.memory_space<hbm>> -> memref<1000000x64xf32, #tpu.memory_space<hbm>>
      tpu.enqueue_indirect_dma source(%dma_start3A_32 : memref<1000000x64xf32, #tpu.memory_space<hbm>>) target(%arg6 : memref<128x64xf32, #tpu.memory_space<vmem>>) offsets(%dma_start3A_29 : memref<128xi32, #tpu.memory_space<vmem>>) semaphore(%arg14 : memref<!tpu.dma_semaphore, #tpu.memory_space<semaphore_mem>>)
      %mul3A_33 = arith.constant 8 : i32
      %mul3A_34 = arith.muli %scan3A_22, %mul3A_33 : i32
      %add3A_35 = arith.constant 1 : i32
      %add3A_36 = arith.addi %mul3A_34, %add3A_35 : i32
      %dma_start3A_37 = arith.constant 0 : i32
      %dma_start3A_38 = tpu.memref_slice %arg5[%add3A_36, %dma_start3A_37] : memref<200x128xi32, #tpu.memory_space<vmem>> -> memref<1x128xi32, #tpu.memory_space<vmem>>
      %dma_start3A_39 = tpu.memref_squeeze %dma_start3A_38 : memref<1x128xi32, #tpu.memory_space<vmem>> -> memref<128xi32, #tpu.memory_space<vmem>>
      %dma_start3A_40 = arith.constant 0 : i32
      %dma_start3A_41 = arith.constant 0 : i32
      %dma_start3A_42 = tpu.memref_slice %arg3[%dma_start3A_40, %dma_start3A_41] : memref<1000000x64xf32, #tpu.memory_space<hbm>> -> memref<1000000x64xf32, #tpu.memory_space<hbm>>
      tpu.enqueue_indirect_dma source(%dma_start3A_42 : memref<1000000x64xf32, #tpu.memory_space<hbm>>) target(%arg7 : memref<128x64xf32, #tpu.memory_space<vmem>>) offsets(%dma_start3A_39 : memref<128xi32, #tpu.memory_space<vmem>>) semaphore(%arg15 : memref<!tpu.dma_semaphore, #tpu.memory_space<semaphore_mem>>)
      %mul3A_43 = arith.constant 8 : i32
      %mul3A_44 = arith.muli %scan3A_22, %mul3A_43 : i32
      %add3A_45 = arith.constant 2 : i32
      %add3A_46 = arith.addi %mul3A_44, %add3A_45 : i32
      %dma_start3A_47 = arith.constant 0 : i32
      %dma_start3A_48 = tpu.memref_slice %arg5[%add3A_46, %dma_start3A_47] : memref<200x128xi32, #tpu.memory_space<vmem>> -> memref<1x128xi32, #tpu.memory_space<vmem>>
      %dma_start3A_49 = tpu.memref_squeeze %dma_start3A_48 : memref<1x128xi32, #tpu.memory_space<vmem>> -> memref<128xi32, #tpu.memory_space<vmem>>
      %dma_start3A_50 = arith.constant 0 : i32
      %dma_start3A_51 = arith.constant 0 : i32
      %dma_start3A_52 = tpu.memref_slice %arg3[%dma_start3A_50, %dma_start3A_51] : memref<1000000x64xf32, #tpu.memory_space<hbm>> -> memref<1000000x64xf32, #tpu.memory_space<hbm>>
      tpu.enqueue_indirect_dma source(%dma_start3A_52 : memref<1000000x64xf32, #tpu.memory_space<hbm>>) target(%arg8 : memref<128x64xf32, #tpu.memory_space<vmem>>) offsets(%dma_start3A_49 : memref<128xi32, #tpu.memory_space<vmem>>) semaphore(%arg16 : memref<!tpu.dma_semaphore, #tpu.memory_space<semaphore_mem>>)
      %mul3A_53 = arith.constant 8 : i32
      %mul3A_54 = arith.muli %scan3A_22, %mul3A_53 : i32
      %add3A_55 = arith.constant 3 : i32
      %add3A_56 = arith.addi %mul3A_54, %add3A_55 : i32
      %dma_start3A_57 = arith.constant 0 : i32
      %dma_start3A_58 = tpu.memref_slice %arg5[%add3A_56, %dma_start3A_57] : memref<200x128xi32, #tpu.memory_space<vmem>> -> memref<1x128xi32, #tpu.memory_space<vmem>>
      %dma_start3A_59 = tpu.memref_squeeze %dma_start3A_58 : memref<1x128xi32, #tpu.memory_space<vmem>> -> memref<128xi32, #tpu.memory_space<vmem>>
      %dma_start3A_60 = arith.constant 0 : i32
      %dma_start3A_61 = arith.constant 0 : i32
      %dma_start3A_62 = tpu.memref_slice %arg3[%dma_start3A_60, %dma_start3A_61] : memref<1000000x64xf32, #tpu.memory_space<hbm>> -> memref<1000000x64xf32, #tpu.memory_space<hbm>>
      tpu.enqueue_indirect_dma source(%dma_start3A_62 : memref<1000000x64xf32, #tpu.memory_space<hbm>>) target(%arg9 : memref<128x64xf32, #tpu.memory_space<vmem>>) offsets(%dma_start3A_59 : memref<128xi32, #tpu.memory_space<vmem>>) semaphore(%arg17 : memref<!tpu.dma_semaphore, #tpu.memory_space<semaphore_mem>>)
      %mul3A_63 = arith.constant 8 : i32
      %mul3A_64 = arith.muli %scan3A_22, %mul3A_63 : i32
      %add3A_65 = arith.constant 4 : i32
      %add3A_66 = arith.addi %mul3A_64, %add3A_65 : i32
      %dma_start3A_67 = arith.constant 0 : i32
      %dma_start3A_68 = tpu.memref_slice %arg5[%add3A_66, %dma_start3A_67] : memref<200x128xi32, #tpu.memory_space<vmem>> -> memref<1x128xi32, #tpu.memory_space<vmem>>
      %dma_start3A_69 = tpu.memref_squeeze %dma_start3A_68 : memref<1x128xi32, #tpu.memory_space<vmem>> -> memref<128xi32, #tpu.memory_space<vmem>>
      %dma_start3A_70 = arith.constant 0 : i32
      %dma_start3A_71 = arith.constant 0 : i32
      %dma_start3A_72 = tpu.memref_slice %arg3[%dma_start3A_70, %dma_start3A_71] : memref<1000000x64xf32, #tpu.memory_space<hbm>> -> memref<1000000x64xf32, #tpu.memory_space<hbm>>
      tpu.enqueue_indirect_dma source(%dma_start3A_72 : memref<1000000x64xf32, #tpu.memory_space<hbm>>) target(%arg10 : memref<128x64xf32, #tpu.memory_space<vmem>>) offsets(%dma_start3A_69 : memref<128xi32, #tpu.memory_space<vmem>>) semaphore(%arg18 : memref<!tpu.dma_semaphore, #tpu.memory_space<semaphore_mem>>)
      %mul3A_73 = arith.constant 8 : i32
      %mul3A_74 = arith.muli %scan3A_22, %mul3A_73 : i32
      %add3A_75 = arith.constant 5 : i32
      %add3A_76 = arith.addi %mul3A_74, %add3A_75 : i32
      %dma_start3A_77 = arith.constant 0 : i32
      %dma_start3A_78 = tpu.memref_slice %arg5[%add3A_76, %dma_start3A_77] : memref<200x128xi32, #tpu.memory_space<vmem>> -> memref<1x128xi32, #tpu.memory_space<vmem>>
      %dma_start3A_79 = tpu.memref_squeeze %dma_start3A_78 : memref<1x128xi32, #tpu.memory_space<vmem>> -> memref<128xi32, #tpu.memory_space<vmem>>
      %dma_start3A_80 = arith.constant 0 : i32
      %dma_start3A_81 = arith.constant 0 : i32
      %dma_start3A_82 = tpu.memref_slice %arg3[%dma_start3A_80, %dma_start3A_81] : memref<1000000x64xf32, #tpu.memory_space<hbm>> -> memref<1000000x64xf32, #tpu.memory_space<hbm>>
      tpu.enqueue_indirect_dma source(%dma_start3A_82 : memref<1000000x64xf32, #tpu.memory_space<hbm>>) target(%arg11 : memref<128x64xf32, #tpu.memory_space<vmem>>) offsets(%dma_start3A_79 : memref<128xi32, #tpu.memory_space<vmem>>) semaphore(%arg19 : memref<!tpu.dma_semaphore, #tpu.memory_space<semaphore_mem>>)
      %mul3A_83 = arith.constant 8 : i32
      %mul3A_84 = arith.muli %scan3A_22, %mul3A_83 : i32
      %add3A_85 = arith.constant 6 : i32
      %add3A_86 = arith.addi %mul3A_84, %add3A_85 : i32
      %dma_start3A_87 = arith.constant 0 : i32
      %dma_start3A_88 = tpu.memref_slice %arg5[%add3A_86, %dma_start3A_87] : memref<200x128xi32, #tpu.memory_space<vmem>> -> memref<1x128xi32, #tpu.memory_space<vmem>>
      %dma_start3A_89 = tpu.memref_squeeze %dma_start3A_88 : memref<1x128xi32, #tpu.memory_space<vmem>> -> memref<128xi32, #tpu.memory_space<vmem>>
      %dma_start3A_90 = arith.constant 0 : i32
      %dma_start3A_91 = arith.constant 0 : i32
      %dma_start3A_92 = tpu.memref_slice %arg3[%dma_start3A_90, %dma_start3A_91] : memref<1000000x64xf32, #tpu.memory_space<hbm>> -> memref<1000000x64xf32, #tpu.memory_space<hbm>>
      tpu.enqueue_indirect_dma source(%dma_start3A_92 : memref<1000000x64xf32, #tpu.memory_space<hbm>>) target(%arg12 : memref<128x64xf32, #tpu.memory_space<vmem>>) offsets(%dma_start3A_89 : memref<128xi32, #tpu.memory_space<vmem>>) semaphore(%arg20 : memref<!tpu.dma_semaphore, #tpu.memory_space<semaphore_mem>>)
      %mul3A_93 = arith.constant 8 : i32
      %mul3A_94 = arith.muli %scan3A_22, %mul3A_93 : i32
      %add3A_95 = arith.constant 7 : i32
      %add3A_96 = arith.addi %mul3A_94, %add3A_95 : i32
      %dma_start3A_97 = arith.constant 0 : i32
      %dma_start3A_98 = tpu.memref_slice %arg5[%add3A_96, %dma_start3A_97] : memref<200x128xi32, #tpu.memory_space<vmem>> -> memref<1x128xi32, #tpu.memory_space<vmem>>
      %dma_start3A_99 = tpu.memref_squeeze %dma_start3A_98 : memref<1x128xi32, #tpu.memory_space<vmem>> -> memref<128xi32, #tpu.memory_space<vmem>>
      %dma_start3A_100 = arith.constant 0 : i32
      %dma_start3A_101 = arith.constant 0 : i32
      %dma_start3A_102 = tpu.memref_slice %arg3[%dma_start3A_100, %dma_start3A_101] : memref<1000000x64xf32, #tpu.memory_space<hbm>> -> memref<1000000x64xf32, #tpu.memory_space<hbm>>
      tpu.enqueue_indirect_dma source(%dma_start3A_102 : memref<1000000x64xf32, #tpu.memory_space<hbm>>) target(%arg13 : memref<128x64xf32, #tpu.memory_space<vmem>>) offsets(%dma_start3A_99 : memref<128xi32, #tpu.memory_space<vmem>>) semaphore(%arg21 : memref<!tpu.dma_semaphore, #tpu.memory_space<semaphore_mem>>)
      %dma_wait3A_103 = arith.constant 0 : i32
      %dma_wait3A_104 = tpu.memref_slice %arg5[%add3A_26, %dma_wait3A_103] : memref<200x128xi32, #tpu.memory_space<vmem>> -> memref<1x128xi32, #tpu.memory_space<vmem>>
      %dma_wait3A_105 = tpu.memref_squeeze %dma_wait3A_104 : memref<1x128xi32, #tpu.memory_space<vmem>> -> memref<128xi32, #tpu.memory_space<vmem>>
      %dma_wait3A_106 = arith.constant 0 : i32
      %dma_wait3A_107 = arith.constant 0 : i32
      %dma_wait3A_108 = tpu.memref_slice %arg3[%dma_wait3A_106, %dma_wait3A_107] : memref<1000000x64xf32, #tpu.memory_space<hbm>> -> memref<1000000x64xf32, #tpu.memory_space<hbm>>
      tpu.wait_indirect_dma semaphore(%arg14 : memref<!tpu.dma_semaphore, #tpu.memory_space<semaphore_mem>>) src(%dma_wait3A_108 : memref<1000000x64xf32, #tpu.memory_space<hbm>>) dst(%arg6 : memref<128x64xf32, #tpu.memory_space<vmem>>)
      %mul3A_109 = arith.constant 8 : i32
      %mul3A_110 = arith.muli %scan3A_22, %mul3A_109 : i32
      %add3A_111 = arith.constant 0 : i32
      %add3A_112 = arith.addi %mul3A_110, %add3A_111 : i32
      %mul3A_113 = arith.constant 128 : i32
      %mul3A_114 = arith.muli %add3A_112, %mul3A_113 : i32
      %add3A_115 = arith.addi %mul3A_16, %mul3A_114 : i32
      %dma_start3A_116 = arith.constant 0 : i32
      %dma_start3A_117 = tpu.memref_slice %arg4[%add3A_115, %dma_start3A_116] : memref<819200x64xf32, #tpu.memory_space<hbm>> -> memref<128x64xf32, #tpu.memory_space<hbm>>
      %dma_start3A_118 = arith.constant 0 : i32
      %dma_start3A_119 = tpu.memref_slice %arg4[%add3A_115, %dma_start3A_118] : memref<819200x64xf32, #tpu.memory_space<hbm>> -> memref<128x64xf32, #tpu.memory_space<hbm>>
      tpu.enqueue_dma source(%arg6 : memref<128x64xf32, #tpu.memory_space<vmem>>) target(%dma_start3A_119 : memref<128x64xf32, #tpu.memory_space<hbm>>) target_semaphore(%arg22 : memref<!tpu.dma_semaphore, #tpu.memory_space<semaphore_mem>>)
      %dma_wait3A_120 = arith.constant 0 : i32
      %dma_wait3A_121 = tpu.memref_slice %arg5[%add3A_36, %dma_wait3A_120] : memref<200x128xi32, #tpu.memory_space<vmem>> -> memref<1x128xi32, #tpu.memory_space<vmem>>
      %dma_wait3A_122 = tpu.memref_squeeze %dma_wait3A_121 : memref<1x128xi32, #tpu.memory_space<vmem>> -> memref<128xi32, #tpu.memory_space<vmem>>
      %dma_wait3A_123 = arith.constant 0 : i32
      %dma_wait3A_124 = arith.constant 0 : i32
      %dma_wait3A_125 = tpu.memref_slice %arg3[%dma_wait3A_123, %dma_wait3A_124] : memref<1000000x64xf32, #tpu.memory_space<hbm>> -> memref<1000000x64xf32, #tpu.memory_space<hbm>>
      tpu.wait_indirect_dma semaphore(%arg15 : memref<!tpu.dma_semaphore, #tpu.memory_space<semaphore_mem>>) src(%dma_wait3A_125 : memref<1000000x64xf32, #tpu.memory_space<hbm>>) dst(%arg7 : memref<128x64xf32, #tpu.memory_space<vmem>>)
      %mul3A_126 = arith.constant 8 : i32
      %mul3A_127 = arith.muli %scan3A_22, %mul3A_126 : i32
      %add3A_128 = arith.constant 1 : i32
      %add3A_129 = arith.addi %mul3A_127, %add3A_128 : i32
      %mul3A_130 = arith.constant 128 : i32
      %mul3A_131 = arith.muli %add3A_129, %mul3A_130 : i32
      %add3A_132 = arith.addi %mul3A_16, %mul3A_131 : i32
      %dma_start3A_133 = arith.constant 0 : i32
      %dma_start3A_134 = tpu.memref_slice %arg4[%add3A_132, %dma_start3A_133] : memref<819200x64xf32, #tpu.memory_space<hbm>> -> memref<128x64xf32, #tpu.memory_space<hbm>>
      %dma_start3A_135 = arith.constant 0 : i32
      %dma_start3A_136 = tpu.memref_slice %arg4[%add3A_132, %dma_start3A_135] : memref<819200x64xf32, #tpu.memory_space<hbm>> -> memref<128x64xf32, #tpu.memory_space<hbm>>
      tpu.enqueue_dma source(%arg7 : memref<128x64xf32, #tpu.memory_space<vmem>>) target(%dma_start3A_136 : memref<128x64xf32, #tpu.memory_space<hbm>>) target_semaphore(%arg23 : memref<!tpu.dma_semaphore, #tpu.memory_space<semaphore_mem>>)
      %dma_wait3A_137 = arith.constant 0 : i32
      %dma_wait3A_138 = tpu.memref_slice %arg5[%add3A_46, %dma_wait3A_137] : memref<200x128xi32, #tpu.memory_space<vmem>> -> memref<1x128xi32, #tpu.memory_space<vmem>>
      %dma_wait3A_139 = tpu.memref_squeeze %dma_wait3A_138 : memref<1x128xi32, #tpu.memory_space<vmem>> -> memref<128xi32, #tpu.memory_space<vmem>>
      %dma_wait3A_140 = arith.constant 0 : i32
      %dma_wait3A_141 = arith.constant 0 : i32
      %dma_wait3A_142 = tpu.memref_slice %arg3[%dma_wait3A_140, %dma_wait3A_141] : memref<1000000x64xf32, #tpu.memory_space<hbm>> -> memref<1000000x64xf32, #tpu.memory_space<hbm>>
      tpu.wait_indirect_dma semaphore(%arg16 : memref<!tpu.dma_semaphore, #tpu.memory_space<semaphore_mem>>) src(%dma_wait3A_142 : memref<1000000x64xf32, #tpu.memory_space<hbm>>) dst(%arg8 : memref<128x64xf32, #tpu.memory_space<vmem>>)
      %mul3A_143 = arith.constant 8 : i32
      %mul3A_144 = arith.muli %scan3A_22, %mul3A_143 : i32
      %add3A_145 = arith.constant 2 : i32
      %add3A_146 = arith.addi %mul3A_144, %add3A_145 : i32
      %mul3A_147 = arith.constant 128 : i32
      %mul3A_148 = arith.muli %add3A_146, %mul3A_147 : i32
      %add3A_149 = arith.addi %mul3A_16, %mul3A_148 : i32
      %dma_start3A_150 = arith.constant 0 : i32
      %dma_start3A_151 = tpu.memref_slice %arg4[%add3A_149, %dma_start3A_150] : memref<819200x64xf32, #tpu.memory_space<hbm>> -> memref<128x64xf32, #tpu.memory_space<hbm>>
      %dma_start3A_152 = arith.constant 0 : i32
      %dma_start3A_153 = tpu.memref_slice %arg4[%add3A_149, %dma_start3A_152] : memref<819200x64xf32, #tpu.memory_space<hbm>> -> memref<128x64xf32, #tpu.memory_space<hbm>>
      tpu.enqueue_dma source(%arg8 : memref<128x64xf32, #tpu.memory_space<vmem>>) target(%dma_start3A_153 : memref<128x64xf32, #tpu.memory_space<hbm>>) target_semaphore(%arg24 : memref<!tpu.dma_semaphore, #tpu.memory_space<semaphore_mem>>)
      %dma_wait3A_154 = arith.constant 0 : i32
      %dma_wait3A_155 = tpu.memref_slice %arg5[%add3A_56, %dma_wait3A_154] : memref<200x128xi32, #tpu.memory_space<vmem>> -> memref<1x128xi32, #tpu.memory_space<vmem>>
      %dma_wait3A_156 = tpu.memref_squeeze %dma_wait3A_155 : memref<1x128xi32, #tpu.memory_space<vmem>> -> memref<128xi32, #tpu.memory_space<vmem>>
      %dma_wait3A_157 = arith.constant 0 : i32
      %dma_wait3A_158 = arith.constant 0 : i32
      %dma_wait3A_159 = tpu.memref_slice %arg3[%dma_wait3A_157, %dma_wait3A_158] : memref<1000000x64xf32, #tpu.memory_space<hbm>> -> memref<1000000x64xf32, #tpu.memory_space<hbm>>
      tpu.wait_indirect_dma semaphore(%arg17 : memref<!tpu.dma_semaphore, #tpu.memory_space<semaphore_mem>>) src(%dma_wait3A_159 : memref<1000000x64xf32, #tpu.memory_space<hbm>>) dst(%arg9 : memref<128x64xf32, #tpu.memory_space<vmem>>)
      %mul3A_160 = arith.constant 8 : i32
      %mul3A_161 = arith.muli %scan3A_22, %mul3A_160 : i32
      %add3A_162 = arith.constant 3 : i32
      %add3A_163 = arith.addi %mul3A_161, %add3A_162 : i32
      %mul3A_164 = arith.constant 128 : i32
      %mul3A_165 = arith.muli %add3A_163, %mul3A_164 : i32
      %add3A_166 = arith.addi %mul3A_16, %mul3A_165 : i32
      %dma_start3A_167 = arith.constant 0 : i32
      %dma_start3A_168 = tpu.memref_slice %arg4[%add3A_166, %dma_start3A_167] : memref<819200x64xf32, #tpu.memory_space<hbm>> -> memref<128x64xf32, #tpu.memory_space<hbm>>
      %dma_start3A_169 = arith.constant 0 : i32
      %dma_start3A_170 = tpu.memref_slice %arg4[%add3A_166, %dma_start3A_169] : memref<819200x64xf32, #tpu.memory_space<hbm>> -> memref<128x64xf32, #tpu.memory_space<hbm>>
      tpu.enqueue_dma source(%arg9 : memref<128x64xf32, #tpu.memory_space<vmem>>) target(%dma_start3A_170 : memref<128x64xf32, #tpu.memory_space<hbm>>) target_semaphore(%arg25 : memref<!tpu.dma_semaphore, #tpu.memory_space<semaphore_mem>>)
      %dma_wait3A_171 = arith.constant 0 : i32
      %dma_wait3A_172 = tpu.memref_slice %arg5[%add3A_66, %dma_wait3A_171] : memref<200x128xi32, #tpu.memory_space<vmem>> -> memref<1x128xi32, #tpu.memory_space<vmem>>
      %dma_wait3A_173 = tpu.memref_squeeze %dma_wait3A_172 : memref<1x128xi32, #tpu.memory_space<vmem>> -> memref<128xi32, #tpu.memory_space<vmem>>
      %dma_wait3A_174 = arith.constant 0 : i32
      %dma_wait3A_175 = arith.constant 0 : i32
      %dma_wait3A_176 = tpu.memref_slice %arg3[%dma_wait3A_174, %dma_wait3A_175] : memref<1000000x64xf32, #tpu.memory_space<hbm>> -> memref<1000000x64xf32, #tpu.memory_space<hbm>>
      tpu.wait_indirect_dma semaphore(%arg18 : memref<!tpu.dma_semaphore, #tpu.memory_space<semaphore_mem>>) src(%dma_wait3A_176 : memref<1000000x64xf32, #tpu.memory_space<hbm>>) dst(%arg10 : memref<128x64xf32, #tpu.memory_space<vmem>>)
      %mul3A_177 = arith.constant 8 : i32
      %mul3A_178 = arith.muli %scan3A_22, %mul3A_177 : i32
      %add3A_179 = arith.constant 4 : i32
      %add3A_180 = arith.addi %mul3A_178, %add3A_179 : i32
      %mul3A_181 = arith.constant 128 : i32
      %mul3A_182 = arith.muli %add3A_180, %mul3A_181 : i32
      %add3A_183 = arith.addi %mul3A_16, %mul3A_182 : i32
      %dma_start3A_184 = arith.constant 0 : i32
      %dma_start3A_185 = tpu.memref_slice %arg4[%add3A_183, %dma_start3A_184] : memref<819200x64xf32, #tpu.memory_space<hbm>> -> memref<128x64xf32, #tpu.memory_space<hbm>>
      %dma_start3A_186 = arith.constant 0 : i32
      %dma_start3A_187 = tpu.memref_slice %arg4[%add3A_183, %dma_start3A_186] : memref<819200x64xf32, #tpu.memory_space<hbm>> -> memref<128x64xf32, #tpu.memory_space<hbm>>
      tpu.enqueue_dma source(%arg10 : memref<128x64xf32, #tpu.memory_space<vmem>>) target(%dma_start3A_187 : memref<128x64xf32, #tpu.memory_space<hbm>>) target_semaphore(%arg26 : memref<!tpu.dma_semaphore, #tpu.memory_space<semaphore_mem>>)
      %dma_wait3A_188 = arith.constant 0 : i32
      %dma_wait3A_189 = tpu.memref_slice %arg5[%add3A_76, %dma_wait3A_188] : memref<200x128xi32, #tpu.memory_space<vmem>> -> memref<1x128xi32, #tpu.memory_space<vmem>>
      %dma_wait3A_190 = tpu.memref_squeeze %dma_wait3A_189 : memref<1x128xi32, #tpu.memory_space<vmem>> -> memref<128xi32, #tpu.memory_space<vmem>>
      %dma_wait3A_191 = arith.constant 0 : i32
      %dma_wait3A_192 = arith.constant 0 : i32
      %dma_wait3A_193 = tpu.memref_slice %arg3[%dma_wait3A_191, %dma_wait3A_192] : memref<1000000x64xf32, #tpu.memory_space<hbm>> -> memref<1000000x64xf32, #tpu.memory_space<hbm>>
      tpu.wait_indirect_dma semaphore(%arg19 : memref<!tpu.dma_semaphore, #tpu.memory_space<semaphore_mem>>) src(%dma_wait3A_193 : memref<1000000x64xf32, #tpu.memory_space<hbm>>) dst(%arg11 : memref<128x64xf32, #tpu.memory_space<vmem>>)
      %mul3A_194 = arith.constant 8 : i32
      %mul3A_195 = arith.muli %scan3A_22, %mul3A_194 : i32
      %add3A_196 = arith.constant 5 : i32
      %add3A_197 = arith.addi %mul3A_195, %add3A_196 : i32
      %mul3A_198 = arith.constant 128 : i32
      %mul3A_199 = arith.muli %add3A_197, %mul3A_198 : i32
      %add3A_200 = arith.addi %mul3A_16, %mul3A_199 : i32
      %dma_start3A_201 = arith.constant 0 : i32
      %dma_start3A_202 = tpu.memref_slice %arg4[%add3A_200, %dma_start3A_201] : memref<819200x64xf32, #tpu.memory_space<hbm>> -> memref<128x64xf32, #tpu.memory_space<hbm>>
      %dma_start3A_203 = arith.constant 0 : i32
      %dma_start3A_204 = tpu.memref_slice %arg4[%add3A_200, %dma_start3A_203] : memref<819200x64xf32, #tpu.memory_space<hbm>> -> memref<128x64xf32, #tpu.memory_space<hbm>>
      tpu.enqueue_dma source(%arg11 : memref<128x64xf32, #tpu.memory_space<vmem>>) target(%dma_start3A_204 : memref<128x64xf32, #tpu.memory_space<hbm>>) target_semaphore(%arg27 : memref<!tpu.dma_semaphore, #tpu.memory_space<semaphore_mem>>)
      %dma_wait3A_205 = arith.constant 0 : i32
      %dma_wait3A_206 = tpu.memref_slice %arg5[%add3A_86, %dma_wait3A_205] : memref<200x128xi32, #tpu.memory_space<vmem>> -> memref<1x128xi32, #tpu.memory_space<vmem>>
      %dma_wait3A_207 = tpu.memref_squeeze %dma_wait3A_206 : memref<1x128xi32, #tpu.memory_space<vmem>> -> memref<128xi32, #tpu.memory_space<vmem>>
      %dma_wait3A_208 = arith.constant 0 : i32
      %dma_wait3A_209 = arith.constant 0 : i32
      %dma_wait3A_210 = tpu.memref_slice %arg3[%dma_wait3A_208, %dma_wait3A_209] : memref<1000000x64xf32, #tpu.memory_space<hbm>> -> memref<1000000x64xf32, #tpu.memory_space<hbm>>
      tpu.wait_indirect_dma semaphore(%arg20 : memref<!tpu.dma_semaphore, #tpu.memory_space<semaphore_mem>>) src(%dma_wait3A_210 : memref<1000000x64xf32, #tpu.memory_space<hbm>>) dst(%arg12 : memref<128x64xf32, #tpu.memory_space<vmem>>)
      %mul3A_211 = arith.constant 8 : i32
      %mul3A_212 = arith.muli %scan3A_22, %mul3A_211 : i32
      %add3A_213 = arith.constant 6 : i32
      %add3A_214 = arith.addi %mul3A_212, %add3A_213 : i32
      %mul3A_215 = arith.constant 128 : i32
      %mul3A_216 = arith.muli %add3A_214, %mul3A_215 : i32
      %add3A_217 = arith.addi %mul3A_16, %mul3A_216 : i32
      %dma_start3A_218 = arith.constant 0 : i32
      %dma_start3A_219 = tpu.memref_slice %arg4[%add3A_217, %dma_start3A_218] : memref<819200x64xf32, #tpu.memory_space<hbm>> -> memref<128x64xf32, #tpu.memory_space<hbm>>
      %dma_start3A_220 = arith.constant 0 : i32
      %dma_start3A_221 = tpu.memref_slice %arg4[%add3A_217, %dma_start3A_220] : memref<819200x64xf32, #tpu.memory_space<hbm>> -> memref<128x64xf32, #tpu.memory_space<hbm>>
      tpu.enqueue_dma source(%arg12 : memref<128x64xf32, #tpu.memory_space<vmem>>) target(%dma_start3A_221 : memref<128x64xf32, #tpu.memory_space<hbm>>) target_semaphore(%arg28 : memref<!tpu.dma_semaphore, #tpu.memory_space<semaphore_mem>>)
      %dma_wait3A_222 = arith.constant 0 : i32
      %dma_wait3A_223 = tpu.memref_slice %arg5[%add3A_96, %dma_wait3A_222] : memref<200x128xi32, #tpu.memory_space<vmem>> -> memref<1x128xi32, #tpu.memory_space<vmem>>
      %dma_wait3A_224 = tpu.memref_squeeze %dma_wait3A_223 : memref<1x128xi32, #tpu.memory_space<vmem>> -> memref<128xi32, #tpu.memory_space<vmem>>
      %dma_wait3A_225 = arith.constant 0 : i32
      %dma_wait3A_226 = arith.constant 0 : i32
      %dma_wait3A_227 = tpu.memref_slice %arg3[%dma_wait3A_225, %dma_wait3A_226] : memref<1000000x64xf32, #tpu.memory_space<hbm>> -> memref<1000000x64xf32, #tpu.memory_space<hbm>>
      tpu.wait_indirect_dma semaphore(%arg21 : memref<!tpu.dma_semaphore, #tpu.memory_space<semaphore_mem>>) src(%dma_wait3A_227 : memref<1000000x64xf32, #tpu.memory_space<hbm>>) dst(%arg13 : memref<128x64xf32, #tpu.memory_space<vmem>>)
      %mul3A_228 = arith.constant 8 : i32
      %mul3A_229 = arith.muli %scan3A_22, %mul3A_228 : i32
      %add3A_230 = arith.constant 7 : i32
      %add3A_231 = arith.addi %mul3A_229, %add3A_230 : i32
      %mul3A_232 = arith.constant 128 : i32
      %mul3A_233 = arith.muli %add3A_231, %mul3A_232 : i32
      %add3A_234 = arith.addi %mul3A_16, %mul3A_233 : i32
      %dma_start3A_235 = arith.constant 0 : i32
      %dma_start3A_236 = tpu.memref_slice %arg4[%add3A_234, %dma_start3A_235] : memref<819200x64xf32, #tpu.memory_space<hbm>> -> memref<128x64xf32, #tpu.memory_space<hbm>>
      %dma_start3A_237 = arith.constant 0 : i32
      %dma_start3A_238 = tpu.memref_slice %arg4[%add3A_234, %dma_start3A_237] : memref<819200x64xf32, #tpu.memory_space<hbm>> -> memref<128x64xf32, #tpu.memory_space<hbm>>
      tpu.enqueue_dma source(%arg13 : memref<128x64xf32, #tpu.memory_space<vmem>>) target(%dma_start3A_238 : memref<128x64xf32, #tpu.memory_space<hbm>>) target_semaphore(%arg29 : memref<!tpu.dma_semaphore, #tpu.memory_space<semaphore_mem>>)
      %dma_wait3A_239 = arith.constant 0 : i32
      %dma_wait3A_240 = tpu.memref_slice %arg4[%add3A_115, %dma_wait3A_239] : memref<819200x64xf32, #tpu.memory_space<hbm>> -> memref<128x64xf32, #tpu.memory_space<hbm>>
      %dma_wait3A_241 = arith.constant 0 : i32
      %dma_wait3A_242 = tpu.memref_slice %arg4[%add3A_115, %dma_wait3A_241] : memref<819200x64xf32, #tpu.memory_space<hbm>> -> memref<128x64xf32, #tpu.memory_space<hbm>>
      tpu.wait_dma2 semaphore(%arg22 : memref<!tpu.dma_semaphore, #tpu.memory_space<semaphore_mem>>) src(%arg6 : memref<128x64xf32, #tpu.memory_space<vmem>>) dst(%dma_wait3A_242 : memref<128x64xf32, #tpu.memory_space<hbm>>)
      %dma_wait3A_243 = arith.constant 0 : i32
      %dma_wait3A_244 = tpu.memref_slice %arg4[%add3A_132, %dma_wait3A_243] : memref<819200x64xf32, #tpu.memory_space<hbm>> -> memref<128x64xf32, #tpu.memory_space<hbm>>
      %dma_wait3A_245 = arith.constant 0 : i32
      %dma_wait3A_246 = tpu.memref_slice %arg4[%add3A_132, %dma_wait3A_245] : memref<819200x64xf32, #tpu.memory_space<hbm>> -> memref<128x64xf32, #tpu.memory_space<hbm>>
      tpu.wait_dma2 semaphore(%arg23 : memref<!tpu.dma_semaphore, #tpu.memory_space<semaphore_mem>>) src(%arg7 : memref<128x64xf32, #tpu.memory_space<vmem>>) dst(%dma_wait3A_246 : memref<128x64xf32, #tpu.memory_space<hbm>>)
      %dma_wait3A_247 = arith.constant 0 : i32
      %dma_wait3A_248 = tpu.memref_slice %arg4[%add3A_149, %dma_wait3A_247] : memref<819200x64xf32, #tpu.memory_space<hbm>> -> memref<128x64xf32, #tpu.memory_space<hbm>>
      %dma_wait3A_249 = arith.constant 0 : i32
      %dma_wait3A_250 = tpu.memref_slice %arg4[%add3A_149, %dma_wait3A_249] : memref<819200x64xf32, #tpu.memory_space<hbm>> -> memref<128x64xf32, #tpu.memory_space<hbm>>
      tpu.wait_dma2 semaphore(%arg24 : memref<!tpu.dma_semaphore, #tpu.memory_space<semaphore_mem>>) src(%arg8 : memref<128x64xf32, #tpu.memory_space<vmem>>) dst(%dma_wait3A_250 : memref<128x64xf32, #tpu.memory_space<hbm>>)
      %dma_wait3A_251 = arith.constant 0 : i32
      %dma_wait3A_252 = tpu.memref_slice %arg4[%add3A_166, %dma_wait3A_251] : memref<819200x64xf32, #tpu.memory_space<hbm>> -> memref<128x64xf32, #tpu.memory_space<hbm>>
      %dma_wait3A_253 = arith.constant 0 : i32
      %dma_wait3A_254 = tpu.memref_slice %arg4[%add3A_166, %dma_wait3A_253] : memref<819200x64xf32, #tpu.memory_space<hbm>> -> memref<128x64xf32, #tpu.memory_space<hbm>>
      tpu.wait_dma2 semaphore(%arg25 : memref<!tpu.dma_semaphore, #tpu.memory_space<semaphore_mem>>) src(%arg9 : memref<128x64xf32, #tpu.memory_space<vmem>>) dst(%dma_wait3A_254 : memref<128x64xf32, #tpu.memory_space<hbm>>)
      %dma_wait3A_255 = arith.constant 0 : i32
      %dma_wait3A_256 = tpu.memref_slice %arg4[%add3A_183, %dma_wait3A_255] : memref<819200x64xf32, #tpu.memory_space<hbm>> -> memref<128x64xf32, #tpu.memory_space<hbm>>
      %dma_wait3A_257 = arith.constant 0 : i32
      %dma_wait3A_258 = tpu.memref_slice %arg4[%add3A_183, %dma_wait3A_257] : memref<819200x64xf32, #tpu.memory_space<hbm>> -> memref<128x64xf32, #tpu.memory_space<hbm>>
      tpu.wait_dma2 semaphore(%arg26 : memref<!tpu.dma_semaphore, #tpu.memory_space<semaphore_mem>>) src(%arg10 : memref<128x64xf32, #tpu.memory_space<vmem>>) dst(%dma_wait3A_258 : memref<128x64xf32, #tpu.memory_space<hbm>>)
      %dma_wait3A_259 = arith.constant 0 : i32
      %dma_wait3A_260 = tpu.memref_slice %arg4[%add3A_200, %dma_wait3A_259] : memref<819200x64xf32, #tpu.memory_space<hbm>> -> memref<128x64xf32, #tpu.memory_space<hbm>>
      %dma_wait3A_261 = arith.constant 0 : i32
      %dma_wait3A_262 = tpu.memref_slice %arg4[%add3A_200, %dma_wait3A_261] : memref<819200x64xf32, #tpu.memory_space<hbm>> -> memref<128x64xf32, #tpu.memory_space<hbm>>
      tpu.wait_dma2 semaphore(%arg27 : memref<!tpu.dma_semaphore, #tpu.memory_space<semaphore_mem>>) src(%arg11 : memref<128x64xf32, #tpu.memory_space<vmem>>) dst(%dma_wait3A_262 : memref<128x64xf32, #tpu.memory_space<hbm>>)
      %dma_wait3A_263 = arith.constant 0 : i32
      %dma_wait3A_264 = tpu.memref_slice %arg4[%add3A_217, %dma_wait3A_263] : memref<819200x64xf32, #tpu.memory_space<hbm>> -> memref<128x64xf32, #tpu.memory_space<hbm>>
      %dma_wait3A_265 = arith.constant 0 : i32
      %dma_wait3A_266 = tpu.memref_slice %arg4[%add3A_217, %dma_wait3A_265] : memref<819200x64xf32, #tpu.memory_space<hbm>> -> memref<128x64xf32, #tpu.memory_space<hbm>>
      tpu.wait_dma2 semaphore(%arg28 : memref<!tpu.dma_semaphore, #tpu.memory_space<semaphore_mem>>) src(%arg12 : memref<128x64xf32, #tpu.memory_space<vmem>>) dst(%dma_wait3A_266 : memref<128x64xf32, #tpu.memory_space<hbm>>)
      %dma_wait3A_267 = arith.constant 0 : i32
      %dma_wait3A_268 = tpu.memref_slice %arg4[%add3A_234, %dma_wait3A_267] : memref<819200x64xf32, #tpu.memory_space<hbm>> -> memref<128x64xf32, #tpu.memory_space<hbm>>
      %dma_wait3A_269 = arith.constant 0 : i32
      %dma_wait3A_270 = tpu.memref_slice %arg4[%add3A_234, %dma_wait3A_269] : memref<819200x64xf32, #tpu.memory_space<hbm>> -> memref<128x64xf32, #tpu.memory_space<hbm>>
      tpu.wait_dma2 semaphore(%arg29 : memref<!tpu.dma_semaphore, #tpu.memory_space<semaphore_mem>>) src(%arg13 : memref<128x64xf32, #tpu.memory_space<vmem>>) dst(%dma_wait3A_270 : memref<128x64xf32, #tpu.memory_space<hbm>>)
    }
    %scan3A_21 = arith.constant 25 : i32
    return
  }
}

</mosaic_0001>

<sc_bundles>
// kernel: kernel.3.cloned.1.call-start
scs
__scs_entry_jumppad:
0x0: {  	(pc) =	sbr.rel $0x88, $3  }
0x1: {  	(tag) =	ssettag $0x0;
	lr =	simm.s32 $0x1  }
0x2: {  	[smem:$0x3F9F] =	sst lr;
	_ =	strace $0xD0000000  }
0x3: {  	_ = 	snop  }
0x4: {  	_ = 	snop  }
0x5: {  	_ = 	snop  }
0x6: {  	_ = 	snop  }
0x7: {  	_ = 	snop  }
__scs_overlays_trampoline_lowered:
0x8: {  	[smem:$0x3FAE] =	sst s0  }
0x9: {  	[smem:$0x3FAF] =	sst s1  }
0xa: {  	[smem:$0x3FB0] =	sst s2  }
0xb: {  	[smem:$0x3FB1] =	sst s3  }
0xc: {  	[smem:$0x3FB2] =	sst s4  }
0xd: {  	[smem:$0x3FB3] =	sst s5  }
0xe: {  	[smem:$0x3FB4] =	sst s6  }
0xf: {  	[smem:$0x3FB5] =	sst s7  }
0x10: {  	[smem:$0x3FB6] =	sst s8  }
0x11: {  	[smem:$0x3FB7] =	sst s9;
	s0 =	simm.s32 @!p0 $0x0  }
0x12: {  	s1 =	sld [smem:$0x3F9D];
	s0 =	simm.s32 @p0 $0x1  }
0x13: {  	[smem:$0x3FB8] =	sst s0;
	s0 =	simm.s32 @!p1 $0x0  }
0x14: {  	s2 =	sld [smem:$0x3F9C];
	s0 =	simm.s32 @p1 $0x1  }
0x15: {  	[smem:$0x3FB9] =	sst s0;
	s0 =	simm.s32 @!p2 $0x0  }
0x16: {  	s3 =	sld [smem:$0x3FDB];
	s0 =	simm.s32 @p2 $0x1  }
0x17: {  	s4 =	simm.s32 $0x1BF5;
	[smem:$0x3FBB] =	sst s0  }
0x18: {  	s0 =	sld [smem:$0x3F9E];
	_ =	swait.ge [sflag:s4], $0x0  }
0x19: {  	s7 =	sld [smem:$0x3F9F]  }
0x1a: {  	s8 =	sadd.s32 $0xFFFFE003, lr  }
0x1b: {  	s9 =	sadd.s32 $0xFFFFFEF7, lr;
	s5 =	simm.s32 $0xFFFFFFFF;
	p2 =	slt.u32 s8, $0xFFFFF086  }
0x1c: {  	p1 =	slt.u32 s9, $0xF7A;
	s5 =	simm.s32 @!p2 $0x0  }
0x1d: {  	s5 =	simm.s32 @p1 $0x1;
	p0 =	seq.s32 s7, s2  }
0x1e: {  	s7 =	smul.u32 @!p0 $0xF7A, s2;
	p2 =	seq.s32 @!p0 s5, $0x0  }
0x1f: {  	s9 =	smul.u32 $0xF7A, s1;
	s8 =	simm.s32 @!p0 $0x1BF5;
	p2 =	por !p2, p0  }
0x20: {  	[sflag:s8] =	ssyncset.s32 @!p0 $0xFFFFF086;
	s6 =	sadd.s32 @!p0 s3, s7;
	s7 =	simm.s32 @!p0 $0x108  }
0x21: {  	s3 =	sadd.s32 s3, s9;
	s6 =	sadd.s32 @!p0 $0x88, s6;
	s7 =	simm.s32 @p2 $0x1082  }
0x22: {  	[simem:s7], [sflag:s8] =	dma.local @!p0 [hbm:s6], $0xF7A  }
0x23: {  	s9 =	sor.u32 $0xD0000000, s2;
	s6 =	simm.s32 $0x108;
	_ =	swait.ge @!p0 [sflag:s8], $0x0  }
0x24: {  	s3 =	sadd.s32 $0x88, s3;
	s6 =	simm.s32 @!p1 $0x1082;
	[sflag:s4] =	ssyncset.s32 $0xFFFFF086  }
0x25: {  	[simem:s6], [sflag:s4] =	dma.local [hbm:s3], $0xF7A  }
0x26: {  	[smem:$0x3F9F] =	sst s1;
	(tag) =	ssettag s2;
	_ =	strace s9  }
0x27: {  	s1 =	sld [smem:$0x3FAF]  }
0x28: {  	s2 =	sld [smem:$0x3FB0]  }
0x29: {  	s4 =	sld [smem:$0x3FB2]  }
0x2a: {  	p0 =	seq.s32 s5, $0x0;
	s5 =	sld [smem:$0x3FB3]  }
0x2b: {  	s6 =	sld [smem:$0x3FB4]  }
0x2c: {  	s7 =	sld [smem:$0x3FB5]  }
0x2d: {  	s3 =	simm.s32 $0x108;
	s8 =	sld [smem:$0x3FB6]  }
0x2e: {  	s3 =	simm.s32 @!p0 $0x1082;
	s9 =	sld [smem:$0x3FB7]  }
0x2f: {  	lr =	sadd.s32 s0, s3;
	s0 =	sld [smem:$0x3FAE]  }
0x30: {  	s3 =	sld [smem:$0x3FB1]  }
0x31: {  	[smem:$0x3FBA] =	sst s10  }
0x32: {  	s10 =	sld [smem:$0x3FB8];
	_ =	sdelay $0x3  }
0x33: {  	p0 =	seq.s32 s10, $0x1;
	s10 =	sld [smem:$0x3FBA];
	_ =	sdelay $0x3  }
0x34: {  	[smem:$0x3FBA] =	sst s10  }
0x35: {  	s10 =	sld [smem:$0x3FB9];
	_ =	sdelay $0x3  }
0x36: {  	p1 =	seq.s32 s10, $0x1;
	s10 =	sld [smem:$0x3FBA];
	_ =	sdelay $0x3  }
0x37: {  	[smem:$0x3FBA] =	sst s10  }
0x38: {  	s10 =	sld [smem:$0x3FBB]  }
0x39: {  	_ = 	snop;
	(pc) =	sbr.ind lr, $3  }
0x3a: {  	_ = 	snop  }
0x3b: {  	_ = 	snop  }
0x3c: {  	p2 =	seq.s32 s10, $0x1;
	s10 =	sld [smem:$0x3FBA]  }
0x3d: {  	_ =	shalt  }
0x3e: {  	_ =	shalt  }
0x3f: {  	_ =	shalt  }
0x40: {  	_ =	shalt  }
0x41: {  	_ =	shalt  }
0x42: {  	_ =	shalt  }
0x43: {  	_ =	shalt  }
0x44: {  	_ =	shalt  }
0x45: {  	_ =	shalt  }
0x46: {  	_ =	shalt  }
0x47: {  	_ =	shalt  }
0x48: {  	_ =	shalt  }
0x49: {  	_ =	shalt  }
0x4a: {  	_ =	shalt  }
0x4b: {  	_ =	shalt  }
0x4c: {  	_ =	shalt  }
0x4d: {  	_ =	shalt  }
0x4e: {  	_ =	shalt  }
0x4f: {  	_ =	shalt  }
0x50: {  	_ =	shalt  }
0x51: {  	_ =	shalt  }
0x52: {  	_ =	shalt  }
0x53: {  	_ =	shalt  }
0x54: {  	_ =	shalt  }
0x55: {  	_ =	shalt  }
0x56: {  	_ =	shalt  }
0x57: {  	_ =	shalt  }
0x58: {  	_ =	shalt  }
0x59: {  	_ =	shalt  }
0x5a: {  	_ =	shalt  }
0x5b: {  	_ =	shalt  }
0x5c: {  	_ =	shalt  }
0x5d: {  	_ =	shalt  }
0x5e: {  	_ =	shalt  }
0x5f: {  	_ =	shalt  }
0x60: {  	_ =	shalt  }
0x61: {  	_ =	shalt  }
0x62: {  	_ =	shalt  }
0x63: {  	_ =	shalt  }
0x64: {  	_ =	shalt  }
0x65: {  	_ =	shalt  }
0x66: {  	_ =	shalt  }
0x67: {  	_ =	shalt  }
0x68: {  	_ =	shalt  }
0x69: {  	_ =	shalt  }
0x6a: {  	_ =	shalt  }
0x6b: {  	_ =	shalt  }
0x6c: {  	_ =	shalt  }
0x6d: {  	_ =	shalt  }
0x6e: {  	_ =	shalt  }
0x6f: {  	_ =	shalt  }
0x70: {  	_ =	shalt  }
0x71: {  	_ =	shalt  }
0x72: {  	_ =	shalt  }
0x73: {  	_ =	shalt  }
0x74: {  	_ =	shalt  }
0x75: {  	_ =	shalt  }
0x76: {  	_ =	shalt  }
0x77: {  	_ =	shalt  }
0x78: {  	_ =	shalt  }
0x79: {  	_ =	shalt  }
0x7a: {  	_ =	shalt  }
0x7b: {  	_ =	shalt  }
0x7c: {  	_ =	shalt  }
0x7d: {  	_ =	shalt  }
0x7e: {  	_ =	shalt  }
0x7f: {  	_ =	shalt  }
0x80: {  	_ =	shalt  }
0x81: {  	_ =	shalt  }
0x82: {  	_ =	shalt  }
0x83: {  	_ =	shalt  }
0x84: {  	_ =	shalt  }
0x85: {  	_ =	shalt  }
0x86: {  	_ =	shalt  }
0x87: {  	_ =	shalt  }
.Lfunc_end0:
.L_simem_size_0:
called_computation.1_lowered:
.L_overlay_start_0:
0x88: {  	s2 =	sld [smem:$0x3FD9]  }
0x89: {  	s3 =	sld [smem:$0x3FFE];
	_ =	sdelay $0x1  }
0x8a: {  	s1 =	srdreg.scid  }
0x8b: {  	s0 =	sand.u32 $0x1, s1  }
0x8c: {  	s17 =	sshll.u32 s0, $0xA;
	s2 =	sadd.s32 s3, s2  }
0x8d: {  	s2 =	sadd.s32 s2, s17  }
0x8e: {  	[smem:$0x3FC6] =	sst s2  }
0x8f: {  	_ = 	snop  }
0x90: {  	s2 =	sld [smem:$0x3FD0];
	(tm) =	ssettm $0x1  }
0x91: {  	s18 =	sld [smem:$0x3FFB];
	_ =	sdelay $0x3  }
0x92: {  	_ =	strace s18  }
0x93: {  	s3 =	sld [smem:$0x3FFC];
	_ =	sdelay $0x3  }
0x94: {  	_ =	strace s3  }
0x95: {  	s3 =	sld [smem:$0x3FFD];
	_ =	sdelay $0x3  }
0x96: {  	_ =	strace s3  }
0x97: {  	_ =	strace $0x8FFFFFFF  }
0x98: {  	s19 =	sld [smem:$0x3FDB];
	_ =	sdelay $0x1  }
0x99: {  	s4 =	simm.s32 $_scs_section_size  }
0x9a: {  	s5 =	simm.s32 $_size__tile_overlayer_lowered;
	s6 =	simm.s32 $_tile_overlayer_lowered  }
0x9b: {  	s22 =	simm.s32 $0x1BFF;
	s21 =	sshll.u32 s6, $0x1;
	s3 =	sadd.s32 s4, s19  }
0x9c: {  	s7 =	simm.s32 $0x0;
	s20 =	sshll.u32 s5, $0x1;
	s5 =	sadd.s32 s21, s3  }
0x9d: {  	[timem:s7], [sflag:s22] =	dma.local [hbm:s5], s20  }
0x9e: {  	_ =	swait.ge [sflag:s22], s20  }
0x9f: {  	s4 =	ssub.s32 $0x0, s20;
	[sflag:s22] =	ssyncset.done $0x0  }
0xa0: {  	[sflag:s22] =	ssyncadd.s32 s4;
	_ =	sdelay $0x1  }
0xa1: {  	s23 =	simm.s32 $0x1B8B  }
0xa2: {  	_ =	swait.ge [sflag:s23], $0x1  }
0xa3: {  	[sflag:s23] =	ssyncset.done $0x0  }
0xa4: {  	s25 =	simm.s32 $0x1B8E;
	s24 =	sld [smem:$0x3FFE];
	[sflag:s23] =	ssyncadd.s32 $0xFFFFFFFF  }
0xa5: {  	s26 =	simm.s32 $execute0_lowered;
	[smem:$0x3FD2] =	sst s25  }
0xa6: {  	s5 =	sshll.u32 s26, $0x1;
	_ =	strace $0x80000046;
	[dreg:$0x1] =	wrdreg $0xFFFFFFFF  }
0xa7: {  	s28 =	simm.s32 $_size_execute0_lowered;
	s3 =	sadd.s32 s3, s5;
	[dreg:$0x0] =	wrdreg $0x0  }
0xa8: {  	s5 =	sshll.u32 s28, $0x1;
	[dreg:$0x2] =	wrdreg s3  }
0xa9: {  	[dreg:$0x3] =	wrdreg s5  }
0xaa: {  	[dreg:$0x4] =	wrdreg $0xC0  }
0xab: {  	_ =	task [dreg:s7], $0x5FFFF  }
0xac: {  	[dreg:$0x1] =	wrdreg $0xFFFFFFFF  }
0xad: {  	[dreg:$0x0] =	wrdreg $0x60  }
0xae: {  	[dreg:$0x2] =	wrdreg s24  }
0xaf: {  	[dreg:$0x3] =	wrdreg s2  }
0xb0: {  	[dreg:$0x4] =	wrdreg $0x9  }
0xb1: {  	_ =	task.clear_ibuf [dreg:s7], $0x5FFFF;
	_ =	strace $0x90000046  }
0xb2: {  	s29 =	simm.s32 $0x9;
	_ =	strace $0x80000048  }
0xb3: {  	_ =	swait.ge [sflag:s29], $0x1  }
0xb4: {  	[sflag:s29] =	ssyncadd.s32 $0xFFFFFFFF  }
0xb5: {  	_ =	strace $0x90000048  }
0xb6: {  	_ =	sfence  }
0xb7: {  	s30 =	sld [smem:$0x0];
	_ =	sdelay $0x2  }
0xb8: {  	s31 =	sshll.u32 s1, $0xD;
	s1 =	sshrl.u32 s1, $0x2  }
0xb9: {  	s3 =	sand.u32 $0x4000, s31;
	s1 =	sadd.s32 s1, s30  }
0xba: {  	s0 =	sor.u32 s3, s0;
	s1 =	sshll.u32 s1, $0x11  }
0xbb: {  	s0 =	sor.u32 s1, s0  }
0xbc: {  	s0 =	sadd.s32 $0x8F2B, s0  }
0xbd: {  	[sflag:s0] =	ssyncadd.remote.s32 $0x1  }
0xbe: {  	_ =	sfence.sel $0xFFFF  }
0xbf: {  	[dreg:$0x0] =	wrdreg $0xFFFFFFFF;
	(pc) =	sbr.abs _section_cstart, $3  }
0xc0: {  	[dreg:$0x1] =	wrdreg $0xFFFFFFFF  }
0xc1: {  	_ =	task.clear_ibuf [dreg:s7], $0x2FFFF;
	_ =	strace $0x9FFFFFFF  }
0xc2: {  	(tm) =	ssettm $0x7FFFFFFF  }
0xc3: {  	_ =	shalt  }
tec
execute0_lowered:
.L_overlay_start_1:
0x0: {  	(tag) =	ssettag $0x1  }
0x1: {  	s0 =	srdreg.scid  }
0x2: {  	s8 =	stileid.u32;
	s1 =	rddreg [dreg:$0x0]  }
0x3: {  	s4 =	rddreg [dreg:$0x1];
	s2 =	simm.s32 $0x0;
	s9 =	simm.s32 $0x8400  }
0x4: {  	s10 =	simm.s32 $0xA400;
	s11 =	simm.s32 $0xC400;
	s12 =	simm.s32 $0xE400  }
0x5: {  	s13 =	simm.s32 $0x10400;
	s14 =	simm.s32 $0x12400;
	s28 =	simm.s32 $0xC  }
0x6: {  	s29 =	simm.s32 $0xD;
	s30 =	simm.s32 $0xE;
	s3 =	smul.u32 $0x320000, s8  }
0x7: {  	s31 =	simm.s32 $0xF;
	s0 =	sand.u32 $0x1, s0;
	s6 =	smul.u32 $0xC800, s8  }
0x8: {  	[smem:$0x7FF] =	sst s2;
	s8 =	sshll.u32 s8, $0x1;
	s5 =	smul.u32 $0x190000, s0  }
0x9: {  	s7 =	smul.u32 $0x6400, s0;
	s16 =	sor.u32 s0, s8;
	s0 =	ssub.s32 $0x2, s0  }
0xa: {  	_ =	strace $0x80000047;
	s8 =	simm.s32 $0x6400;
	s23 =	sshrl.u32 s0, $0x1  }
0xb: {  	s3 =	sadd.s32 s5, s3;
	s15 =	sadd.s32 s7, s6;
	s6 =	smul.u32 $0x6400, s16  }
0xc: {  	s0 =	ssub.s32 s0, s23;
	s7 =	simm.s32 $0x80;
	s16 =	simm.s32 $0x1  }
0xd: {  	s3 =	sshrl.u32 s3, $0x3;
	s5 =	sshll.u32 s15, $0x3;
	s0 =	smax.u32 s0, $0x1  }
0xe: {  	s3 =	sadd.s32 s3, s4;
	s4 =	sadd.s32 s5, s4;
	[dreg:$0xc] =	wrdreg s0  }
0xf: {  	s23 =	simm.s32 $0x8;
	[dreg:$0x3] =	wrdreg s3;
	s17 =	sadd.s32 $0x1800, s4  }
0x10: {  	s15 =	simm.s32 $0x14400;
	s19 =	sadd.s32 $0x1400, s4;
	[dreg:$0x4] =	wrdreg s17  }
0x11: {  	s18 =	sshrl.u32 s6, $0x3;
	s20 =	sadd.s32 $0x1000, s4;
	[dreg:$0x5] =	wrdreg s19  }
0x12: {  	s5 =	sadd.s32 s18, s1;
	s21 =	sadd.s32 $0xC00, s4;
	[dreg:$0x6] =	wrdreg s20  }
0x13: {  	s3 =	sadd.s32 $0xF42E00, s1;
	s22 =	sadd.s32 $0x800, s4;
	[dreg:$0x7] =	wrdreg s21  }
0x14: {  	s24 =	sadd.s32 $0x400, s4;
	s25 =	sadd.s32 $0x1C00, s4;
	[dreg:$0x8] =	wrdreg s22  }
0x15: {  	s18 =	simm.s32 $0x3;
	s1 =	simm.s32 $0x10;
	[dreg:$0x9] =	wrdreg s24  }
0x16: {  	s4 =	simm.s32 $0x0;
	s26 =	sadd.s32 $0xA00, s5;
	[dreg:$0xa] =	wrdreg s25  }
0x17: {  	s17 =	simm.s32 $0x2;
	s19 =	simm.s32 $0x4;
	s20 =	simm.s32 $0x5  }
0x18: {  	s21 =	simm.s32 $0x6;
	s22 =	simm.s32 $0x7;
	s24 =	simm.s32 $0x9  }
0x19: {  	s25 =	simm.s32 $0xA;
	[dreg:$0xb] =	wrdreg s26;
	s26 =	simm.s32 $0xB  }
.LBB2_1:
0x1a: {  	[dreg:$0xd] =	wrdreg s4  }
0x1b: {  	s0 =	rddreg [dreg:$0xb];
	s6 =	simm.s32 $0x11  }
0x1c: {  	[tilespmem:s2], [sflag:$0x11] =	stream.linear.gather [hbm4b:s0+s2], $0x6400, $0x38;
	[tilespmem:$0x16400] =	vst v63  }
0x1d: {  	_ =	swait.ge [sflag:s6], $0x6400  }
0x1e: {  	[sflag:s6] =	ssyncset.done $0x0  }
0x1f: {  	[sflag:s6] =	ssyncadd.s32 $0xFFFF9C00  }
0x20: {  	[tilespmem:s8], [sflag:$0x1] =	stream.indirect.gather [hbm4b:s3+s7], $0x40, s2, s7, $0xb8;
	[tilespmem:$0x16400] =	vst v63  }
0x21: {  	s0 =	simm.s32 $0x80  }
0x22: {  	[tilespmem:s9], [sflag:$0x2] =	stream.indirect.gather [hbm4b:s3+s7], $0x40, s0, s7, $0xb8;
	[tilespmem:$0x16400] =	vst v63  }
0x23: {  	s5 =	simm.s32 $0x100  }
0x24: {  	[tilespmem:s10], [sflag:$0x3] =	stream.indirect.gather [hbm4b:s3+s7], $0x40, s5, s7, $0xb8;
	[tilespmem:$0x16400] =	vst v63  }
0x25: {  	s6 =	simm.s32 $0x180  }
0x26: {  	[tilespmem:s11], [sflag:$0x4] =	stream.indirect.gather [hbm4b:s3+s7], $0x40, s6, s7, $0xb8;
	[tilespmem:$0x16400] =	vst v63  }
0x27: {  	s0 =	simm.s32 $0x200  }
0x28: {  	[tilespmem:s12], [sflag:$0x5] =	stream.indirect.gather [hbm4b:s3+s7], $0x40, s0, s7, $0xb8;
	[tilespmem:$0x16400] =	vst v63  }
0x29: {  	s5 =	simm.s32 $0x280  }
0x2a: {  	[tilespmem:s13], [sflag:$0x6] =	stream.indirect.gather [hbm4b:s3+s7], $0x40, s5, s7, $0xb8;
	[tilespmem:$0x16400] =	vst v63  }
0x2b: {  	s6 =	simm.s32 $0x300  }
0x2c: {  	[tilespmem:s14], [sflag:$0x7] =	stream.indirect.gather [hbm4b:s3+s7], $0x40, s6, s7, $0xb8;
	[tilespmem:$0x16400] =	vst v63  }
0x2d: {  	s0 =	simm.s32 $0x380  }
0x2e: {  	[tilespmem:s15], [sflag:$0x8] =	stream.indirect.gather [hbm4b:s3+s7], $0x40, s0, s7, $0xb8;
	[tilespmem:$0x16400] =	vst v63  }
0x2f: {  	_ =	swait.ge [sflag:s16], $0x2000  }
0x30: {  	s5 =	rddreg [dreg:$0x3];
	[sflag:s16] =	ssyncset.done $0x0  }
0x31: {  	[sflag:s16] =	ssyncadd.s32 $0xFFFFE000;
	s4 =	sadd.s32 $0x0, s5  }
0x32: {  	[hbm4b:s4+s2] =	stream.linear.scatter [tilespmem:s8], [sflag:$0x9], $0x2000, $0x38;
	[tilespmem:$0x16400] =	vst v63  }
0x33: {  	_ =	swait.ge [sflag:s17], $0x2000  }
0x34: {  	s6 =	rddreg [dreg:$0x9];
	[sflag:s17] =	ssyncset.done $0x0  }
0x35: {  	[sflag:s17] =	ssyncadd.s32 $0xFFFFE000;
	s4 =	sadd.s32 $0x0, s6  }
0x36: {  	[hbm4b:s4+s2] =	stream.linear.scatter [tilespmem:s9], [sflag:$0xA], $0x2000, $0x38;
	[tilespmem:$0x16400] =	vst v63  }
0x37: {  	_ =	swait.ge [sflag:s18], $0x2000  }
0x38: {  	s0 =	rddreg [dreg:$0x8];
	[sflag:s18] =	ssyncset.done $0x0  }
0x39: {  	[sflag:s18] =	ssyncadd.s32 $0xFFFFE000;
	s4 =	sadd.s32 $0x0, s0  }
0x3a: {  	[hbm4b:s4+s2] =	stream.linear.scatter [tilespmem:s10], [sflag:$0xB], $0x2000, $0x38;
	[tilespmem:$0x16400] =	vst v63  }
0x3b: {  	_ =	swait.ge [sflag:s19], $0x2000  }
0x3c: {  	s5 =	rddreg [dreg:$0x7];
	[sflag:s19] =	ssyncset.done $0x0  }
0x3d: {  	[sflag:s19] =	ssyncadd.s32 $0xFFFFE000;
	s4 =	sadd.s32 $0x0, s5  }
0x3e: {  	[hbm4b:s4+s2] =	stream.linear.scatter [tilespmem:s11], [sflag:$0xC], $0x2000, $0x38;
	[tilespmem:$0x16400] =	vst v63  }
0x3f: {  	_ =	swait.ge [sflag:s20], $0x2000  }
0x40: {  	s6 =	rddreg [dreg:$0x6];
	[sflag:s20] =	ssyncset.done $0x0  }
0x41: {  	[sflag:s20] =	ssyncadd.s32 $0xFFFFE000;
	s4 =	sadd.s32 $0x0, s6  }
0x42: {  	[hbm4b:s4+s2] =	stream.linear.scatter [tilespmem:s12], [sflag:$0xD], $0x2000, $0x38;
	[tilespmem:$0x16400] =	vst v63  }
0x43: {  	_ =	swait.ge [sflag:s21], $0x2000  }
0x44: {  	s0 =	rddreg [dreg:$0x5];
	[sflag:s21] =	ssyncset.done $0x0  }
0x45: {  	[sflag:s21] =	ssyncadd.s32 $0xFFFFE000;
	s4 =	sadd.s32 $0x0, s0  }
0x46: {  	[hbm4b:s4+s2] =	stream.linear.scatter [tilespmem:s13], [sflag:$0xE], $0x2000, $0x38;
	[tilespmem:$0x16400] =	vst v63  }
0x47: {  	_ =	swait.ge [sflag:s22], $0x2000  }
0x48: {  	s5 =	rddreg [dreg:$0x4];
	[sflag:s22] =	ssyncset.done $0x0  }
0x49: {  	[sflag:s22] =	ssyncadd.s32 $0xFFFFE000;
	s4 =	sadd.s32 $0x0, s5  }
0x4a: {  	[hbm4b:s4+s2] =	stream.linear.scatter [tilespmem:s14], [sflag:$0xF], $0x2000, $0x38;
	[tilespmem:$0x16400] =	vst v63  }
0x4b: {  	_ =	swait.ge [sflag:s23], $0x2000  }
0x4c: {  	s6 =	rddreg [dreg:$0xa];
	[sflag:s23] =	ssyncset.done $0x0  }
0x4d: {  	[sflag:s23] =	ssyncadd.s32 $0xFFFFE000;
	s4 =	sadd.s32 $0x0, s6  }
0x4e: {  	[hbm4b:s4+s2] =	stream.linear.scatter [tilespmem:s15], [sflag:$0x10], $0x2000, $0x38;
	[tilespmem:$0x16400] =	vst v63  }
0x4f: {  	_ =	swait.ge [sflag:s24], $0x2000  }
0x50: {  	[sflag:s24] =	ssyncset.done $0x0  }
0x51: {  	[sflag:s24] =	ssyncadd.s32 $0xFFFFE000  }
0x52: {  	_ =	swait.ge [sflag:s25], $0x2000  }
0x53: {  	[sflag:s25] =	ssyncset.done $0x0  }
0x54: {  	[sflag:s25] =	ssyncadd.s32 $0xFFFFE000  }
0x55: {  	_ =	swait.ge [sflag:s26], $0x2000  }
0x56: {  	[sflag:s26] =	ssyncset.done $0x0  }
0x57: {  	[sflag:s26] =	ssyncadd.s32 $0xFFFFE000  }
0x58: {  	_ =	swait.ge [sflag:s28], $0x2000  }
0x59: {  	[sflag:s28] =	ssyncset.done $0x0  }
0x5a: {  	[sflag:s28] =	ssyncadd.s32 $0xFFFFE000  }
0x5b: {  	_ =	swait.ge [sflag:s29], $0x2000  }
0x5c: {  	[sflag:s29] =	ssyncset.done $0x0  }
0x5d: {  	[sflag:s29] =	ssyncadd.s32 $0xFFFFE000  }
0x5e: {  	_ =	swait.ge [sflag:s30], $0x2000  }
0x5f: {  	[sflag:s30] =	ssyncset.done $0x0  }
0x60: {  	[sflag:s30] =	ssyncadd.s32 $0xFFFFE000  }
0x61: {  	_ =	swait.ge [sflag:s31], $0x2000  }
0x62: {  	[sflag:s31] =	ssyncset.done $0x0  }
0x63: {  	[sflag:s31] =	ssyncadd.s32 $0xFFFFE000  }
0x64: {  	_ =	swait.ge [sflag:s1], $0x2000  }
0x65: {  	s5 =	simm.s32 $0x0;
	s4 =	simm.s32 $0x2000;
	[sflag:s1] =	ssyncset.done $0x0  }
.LBB2_2:
0x66: {  	[sflag:s1] =	ssyncadd.s32 $0xFFFFE000;
	s5 =	sadd.s32 $0x400, s5  }
0x67: {  	[tilespmem:s8], [sflag:$0x1] =	stream.indirect.gather [hbm4b:s3+s7], $0x40, s5, s7, $0xb8;
	[tilespmem:$0x16400] =	vst v63  }
0x68: {  	s0 =	sadd.s32 $0x80, s5  }
0x69: {  	[tilespmem:s9], [sflag:$0x2] =	stream.indirect.gather [hbm4b:s3+s7], $0x40, s0, s7, $0xb8;
	[tilespmem:$0x16400] =	vst v63  }
0x6a: {  	s0 =	sadd.s32 $0x100, s5  }
0x6b: {  	[tilespmem:s10], [sflag:$0x3] =	stream.indirect.gather [hbm4b:s3+s7], $0x40, s0, s7, $0xb8;
	[tilespmem:$0x16400] =	vst v63  }
0x6c: {  	s0 =	sadd.s32 $0x180, s5  }
0x6d: {  	[tilespmem:s11], [sflag:$0x4] =	stream.indirect.gather [hbm4b:s3+s7], $0x40, s0, s7, $0xb8;
	[tilespmem:$0x16400] =	vst v63  }
0x6e: {  	s0 =	sadd.s32 $0x200, s5  }
0x6f: {  	[tilespmem:s12], [sflag:$0x5] =	stream.indirect.gather [hbm4b:s3+s7], $0x40, s0, s7, $0xb8;
	[tilespmem:$0x16400] =	vst v63  }
0x70: {  	s0 =	sadd.s32 $0x280, s5  }
0x71: {  	[tilespmem:s13], [sflag:$0x6] =	stream.indirect.gather [hbm4b:s3+s7], $0x40, s0, s7, $0xb8;
	[tilespmem:$0x16400] =	vst v63  }
0x72: {  	s0 =	sadd.s32 $0x300, s5  }
0x73: {  	[tilespmem:s14], [sflag:$0x7] =	stream.indirect.gather [hbm4b:s3+s7], $0x40, s0, s7, $0xb8;
	[tilespmem:$0x16400] =	vst v63  }
0x74: {  	s0 =	sadd.s32 $0x380, s5  }
0x75: {  	[tilespmem:s15], [sflag:$0x8] =	stream.indirect.gather [hbm4b:s3+s7], $0x40, s0, s7, $0xb8;
	[tilespmem:$0x16400] =	vst v63  }
0x76: {  	_ =	swait.ge [sflag:s16], $0x2000  }
0x77: {  	s6 =	smov.u32 s4;
	s0 =	rddreg [dreg:$0x3];
	[sflag:s16] =	ssyncset.done $0x0  }
0x78: {  	[sflag:s16] =	ssyncadd.s32 $0xFFFFE000;
	s0 =	sadd.s32 s6, s0  }
0x79: {  	[hbm4b:s0+s2] =	stream.linear.scatter [tilespmem:s8], [sflag:$0x9], $0x2000, $0x38;
	[tilespmem:$0x16400] =	vst v63  }
0x7a: {  	_ =	swait.ge [sflag:s17], $0x2000  }
0x7b: {  	s0 =	rddreg [dreg:$0x9];
	[sflag:s17] =	ssyncset.done $0x0  }
0x7c: {  	[sflag:s17] =	ssyncadd.s32 $0xFFFFE000;
	s0 =	sadd.s32 s6, s0  }
0x7d: {  	[hbm4b:s0+s2] =	stream.linear.scatter [tilespmem:s9], [sflag:$0xA], $0x2000, $0x38;
	[tilespmem:$0x16400] =	vst v63  }
0x7e: {  	_ =	swait.ge [sflag:s18], $0x2000  }
0x7f: {  	s0 =	rddreg [dreg:$0x8];
	[sflag:s18] =	ssyncset.done $0x0  }
0x80: {  	[sflag:s18] =	ssyncadd.s32 $0xFFFFE000;
	s0 =	sadd.s32 s6, s0  }
0x81: {  	[hbm4b:s0+s2] =	stream.linear.scatter [tilespmem:s10], [sflag:$0xB], $0x2000, $0x38;
	[tilespmem:$0x16400] =	vst v63  }
0x82: {  	_ =	swait.ge [sflag:s19], $0x2000  }
0x83: {  	s0 =	rddreg [dreg:$0x7];
	[sflag:s19] =	ssyncset.done $0x0  }
0x84: {  	[sflag:s19] =	ssyncadd.s32 $0xFFFFE000;
	s0 =	sadd.s32 s6, s0  }
0x85: {  	[hbm4b:s0+s2] =	stream.linear.scatter [tilespmem:s11], [sflag:$0xC], $0x2000, $0x38;
	[tilespmem:$0x16400] =	vst v63  }
0x86: {  	_ =	swait.ge [sflag:s20], $0x2000  }
0x87: {  	s0 =	rddreg [dreg:$0x6];
	[sflag:s20] =	ssyncset.done $0x0  }
0x88: {  	[sflag:s20] =	ssyncadd.s32 $0xFFFFE000;
	s0 =	sadd.s32 s6, s0  }
0x89: {  	[hbm4b:s0+s2] =	stream.linear.scatter [tilespmem:s12], [sflag:$0xD], $0x2000, $0x38;
	[tilespmem:$0x16400] =	vst v63  }
0x8a: {  	_ =	swait.ge [sflag:s21], $0x2000  }
0x8b: {  	s0 =	rddreg [dreg:$0x5];
	[sflag:s21] =	ssyncset.done $0x0  }
0x8c: {  	[sflag:s21] =	ssyncadd.s32 $0xFFFFE000;
	s0 =	sadd.s32 s6, s0  }
0x8d: {  	[hbm4b:s0+s2] =	stream.linear.scatter [tilespmem:s13], [sflag:$0xE], $0x2000, $0x38;
	[tilespmem:$0x16400] =	vst v63  }
0x8e: {  	_ =	swait.ge [sflag:s22], $0x2000  }
0x8f: {  	s0 =	rddreg [dreg:$0x4];
	[sflag:s22] =	ssyncset.done $0x0  }
0x90: {  	[sflag:s22] =	ssyncadd.s32 $0xFFFFE000;
	s0 =	sadd.s32 s6, s0  }
0x91: {  	[hbm4b:s0+s2] =	stream.linear.scatter [tilespmem:s14], [sflag:$0xF], $0x2000, $0x38;
	[tilespmem:$0x16400] =	vst v63  }
0x92: {  	_ =	swait.ge [sflag:s23], $0x2000  }
0x93: {  	s0 =	rddreg [dreg:$0xa];
	[sflag:s23] =	ssyncset.done $0x0  }
0x94: {  	[sflag:s23] =	ssyncadd.s32 $0xFFFFE000;
	s0 =	sadd.s32 s6, s0  }
0x95: {  	[hbm4b:s0+s2] =	stream.linear.scatter [tilespmem:s15], [sflag:$0x10], $0x2000, $0x38;
	[tilespmem:$0x16400] =	vst v63  }
0x96: {  	_ =	swait.ge [sflag:s24], $0x2000  }
0x97: {  	[sflag:s24] =	ssyncset.done $0x0  }
0x98: {  	[sflag:s24] =	ssyncadd.s32 $0xFFFFE000  }
0x99: {  	_ =	swait.ge [sflag:s25], $0x2000  }
0x9a: {  	[sflag:s25] =	ssyncset.done $0x0  }
0x9b: {  	[sflag:s25] =	ssyncadd.s32 $0xFFFFE000  }
0x9c: {  	_ =	swait.ge [sflag:s26], $0x2000  }
0x9d: {  	[sflag:s26] =	ssyncset.done $0x0  }
0x9e: {  	[sflag:s26] =	ssyncadd.s32 $0xFFFFE000  }
0x9f: {  	_ =	swait.ge [sflag:s28], $0x2000  }
0xa0: {  	[sflag:s28] =	ssyncset.done $0x0  }
0xa1: {  	[sflag:s28] =	ssyncadd.s32 $0xFFFFE000  }
0xa2: {  	_ =	swait.ge [sflag:s29], $0x2000  }
0xa3: {  	[sflag:s29] =	ssyncset.done $0x0  }
0xa4: {  	[sflag:s29] =	ssyncadd.s32 $0xFFFFE000  }
0xa5: {  	_ =	swait.ge [sflag:s30], $0x2000  }
0xa6: {  	[sflag:s30] =	ssyncset.done $0x0  }
0xa7: {  	p0 =	sne.s32 s4, $0x30000;
	[sflag:s30] =	ssyncadd.s32 $0xFFFFE000  }
.Ltmp0:
0xa8: {  	_ =	swait.ge [sflag:s31], $0x2000;
	(pc) =	sbr.rel @p0 .LBB2_2-.Ltmp0, $4  }
0xa9: {  	[sflag:s31] =	ssyncset.done $0x0  }
0xaa: {  	[sflag:s31] =	ssyncadd.s32 $0xFFFFE000  }
0xab: {  	_ =	swait.ge [sflag:s1], $0x2000  }
0xac: {  	s4 =	sadd.s32 $0x2000, s4;
	[sflag:s1] =	ssyncset.done $0x0  }
0xad: {  	s4 =	rddreg [dreg:$0xd]  }
0xae: {  	s0 =	rddreg [dreg:$0xc];
	s4 =	sadd.s32 $0x1, s4  }
0xaf: {  	p0 =	sne.s32 s4, s0  }
.Ltmp1:
0xb0: {  	_ = 	snop;
	(pc) =	sbr.rel @p0 .LBB2_1-.Ltmp1, $2  }
0xb1: {  	_ =	sdelay $0x2  }
0xb2: {  	[sflag:s1] =	ssyncadd.s32 $0xFFFFE000  }
0xb3: {  	_ =	sfence.sel $0x180000  }
0xb4: {  	[bflag:$0x0] =	sbarrier.arrive $0xFFFF  }
0xb5: {  	_ =	strace $0x90000047  }
0xb6: {  	s0 =	stileid.u32;
	[bflag:$0x2] =	sbarrier.arrive $0xFFFF  }
0xb7: {  	p0 =	sne.s32 s0, $0x0;
	s0 =	rddreg [dreg:$0x2]  }
0xb8: {  	s0 =	sadd.s32 @!p0 $0x100000, s0  }
0xb9: {  	[sflag:s0] =	ssyncadd.tile.s32 @!p0 $0x1;
	_ =	shalt  }
.Lfunc_end2:
_tile_overlayer_lowered:
.L_overlay_start_2:
0xba: {  	(tag) =	ssettag $0x2  }
0xbb: {  	s0 =	rddreg [dreg:$0x0];
	s2 =	stileid.u32  }
0xbc: {  	s1 =	rddreg [dreg:$0x1];
	p0 =	sne.s32 s2, $0x0  }
0xbd: {  	s3 =	rddreg [dreg:$0x2];
	[bflag:$0x3] =	sbarrier.arrive $0xFFFF;
	s2 =	simm.s32 @!p0 $0x1C12  }
0xbe: {  	[timem:s3], [sflag:s2] =	dma.local @!p0 [hbm:s0], s1  }
0xbf: {  	s0 =	simm.s32 @!p0 $0x12  }
0xc0: {  	_ =	swait.ge @!p0 [sflag:s0], s1  }
0xc1: {  	s1 =	ssub.s32 @!p0 $0x0, s1;
	[sflag:s0] =	ssyncset.done @!p0 $0x0  }
0xc2: {  	[sflag:s0] =	ssyncadd.s32 @!p0 s1  }
0xc3: {  	[bflag:$0x3] =	sbarrier.arrive $0xFFFF  }
0xc4: {  	_ =	shalt  }

// kernel: sparse-core-data-format-call.cloned.1.call-start
scs
called_computation_lowered:
.L_overlay_start_0:
0x0: {  	s2 =	sld [smem:$0x3FD9]  }
0x1: {  	s3 =	sld [smem:$0x3FFE];
	_ =	sdelay $0x1  }
0x2: {  	s1 =	srdreg.scid  }
0x3: {  	s0 =	sand.u32 $0x1, s1  }
0x4: {  	s18 =	sshll.u32 s0, $0xA;
	s2 =	sadd.s32 s3, s2  }
0x5: {  	s2 =	sadd.s32 s2, s18  }
0x6: {  	[smem:$0x3FC6] =	sst s2  }
0x7: {  	_ = 	snop  }
0x8: {  	s2 =	sld [smem:$0x3FD0];
	(tm) =	ssettm $0x1  }
0x9: {  	s19 =	sld [smem:$0x3FFB];
	_ =	sdelay $0x3  }
0xa: {  	_ =	strace s19  }
0xb: {  	s3 =	sld [smem:$0x3FFC];
	_ =	sdelay $0x3  }
0xc: {  	_ =	strace s3  }
0xd: {  	s3 =	sld [smem:$0x3FFD];
	_ =	sdelay $0x3  }
0xe: {  	_ =	strace s3  }
0xf: {  	_ =	strace $0x8FFFFFFF  }
0x10: {  	s20 =	sld [smem:$0x3FDB];
	_ =	sdelay $0x1  }
0x11: {  	s4 =	simm.s32 $_scs_section_size  }
0x12: {  	s5 =	simm.s32 $_size__tile_overlayer_lowered;
	s6 =	simm.s32 $_tile_overlayer_lowered  }
0x13: {  	s23 =	simm.s32 $0x1BFF;
	s22 =	sshll.u32 s6, $0x1;
	s3 =	sadd.s32 s4, s20  }
0x14: {  	s7 =	simm.s32 $0x0;
	s21 =	sshll.u32 s5, $0x1;
	s5 =	sadd.s32 s22, s3  }
0x15: {  	[timem:s7], [sflag:s23] =	dma.local [hbm:s5], s21  }
0x16: {  	_ =	swait.ge [sflag:s23], s21  }
0x17: {  	s4 =	ssub.s32 $0x0, s21;
	[sflag:s23] =	ssyncset.done $0x0  }
0x18: {  	[sflag:s23] =	ssyncadd.s32 s4;
	_ =	sdelay $0x1  }
0x19: {  	s24 =	simm.s32 $0x1B8B  }
0x1a: {  	_ =	swait.ge [sflag:s24], $0x1  }
0x1b: {  	[sflag:s24] =	ssyncset.done $0x0  }
0x1c: {  	s26 =	simm.s32 $0x1B8E;
	s25 =	sld [smem:$0x3FFE];
	[sflag:s24] =	ssyncadd.s32 $0xFFFFFFFF  }
0x1d: {  	s27 =	simm.s32 $execute0_lowered;
	[smem:$0x3FD2] =	sst s26  }
0x1e: {  	s5 =	sshll.u32 s27, $0x1;
	_ =	strace $0x80000049;
	[dreg:$0x1] =	wrdreg $0xFFFFFFFF  }
0x1f: {  	s28 =	simm.s32 $_size_execute0_lowered;
	s3 =	sadd.s32 s3, s5;
	[dreg:$0x0] =	wrdreg $0x0  }
0x20: {  	s5 =	sshll.u32 s28, $0x1;
	[dreg:$0x2] =	wrdreg s3  }
0x21: {  	[dreg:$0x3] =	wrdreg s5  }
0x22: {  	[dreg:$0x4] =	wrdreg $0xC0  }
0x23: {  	_ =	task [dreg:s7], $0x5FFFF  }
0x24: {  	[dreg:$0x1] =	wrdreg $0xFFFFFFFF  }
0x25: {  	[dreg:$0x0] =	wrdreg $0x60  }
0x26: {  	[dreg:$0x2] =	wrdreg s25  }
0x27: {  	[dreg:$0x3] =	wrdreg s2  }
0x28: {  	[dreg:$0x4] =	wrdreg $0x9  }
0x29: {  	_ =	task.clear_ibuf [dreg:s7], $0x5FFFF;
	_ =	strace $0x90000049  }
0x2a: {  	s29 =	simm.s32 $0x9;
	_ =	strace $0x8000004B  }
0x2b: {  	_ =	swait.ge [sflag:s29], $0x1  }
0x2c: {  	[sflag:s29] =	ssyncadd.s32 $0xFFFFFFFF  }
0x2d: {  	_ =	strace $0x9000004B  }
0x2e: {  	_ =	sfence  }
0x2f: {  	s30 =	sld [smem:$0x0];
	_ =	sdelay $0x2  }
0x30: {  	s31 =	sshll.u32 s1, $0xD;
	s1 =	sshrl.u32 s1, $0x2  }
0x31: {  	s3 =	sand.u32 $0x4000, s31;
	s1 =	sadd.s32 s1, s30  }
0x32: {  	s0 =	sor.u32 s3, s0;
	s1 =	sshll.u32 s1, $0x11  }
0x33: {  	s0 =	sor.u32 s1, s0  }
0x34: {  	s0 =	sadd.s32 $0x8F2B, s0  }
0x35: {  	[sflag:s0] =	ssyncadd.remote.s32 $0x1  }
0x36: {  	_ =	sfence.sel $0xFFFF  }
0x37: {  	[dreg:$0x0] =	wrdreg $0xFFFFFFFF;
	(pc) =	sbr.abs _section_cstart, $3  }
0x38: {  	[dreg:$0x1] =	wrdreg $0xFFFFFFFF  }
0x39: {  	_ =	task.clear_ibuf [dreg:s7], $0x2FFFF;
	_ =	strace $0x9FFFFFFF  }
0x3a: {  	(tm) =	ssettm $0x7FFFFFFF  }
0x3b: {  	_ =	shalt  }
tec
execute0_lowered:
.L_overlay_start_1:
0x0: {  	(tag) =	ssettag $0x1  }
0x1: {  	s0 =	srdreg.scid  }
0x2: {  	s1 =	sshll.u32 s0, $0x4  }
0x3: {  	s0 =	stileid.u32;
	s1 =	sand.u32 $0x10, s1  }
0x4: {  	s1 =	sor.u32 s0, s1  }
0x5: {  	s6 =	rddreg [dreg:$0x0];
	s4 =	simm.s32 $0x1;
	s2 =	sshll.u32 s1, $0x7  }
0x6: {  	s7 =	simm.s32 $0x2;
	s12 =	simm.s32 $0x0;
	s1 =	ssub.s32 $0x1000, s2  }
0x7: {  	s8 =	simm.s32 $0x8000;
	s13 =	simm.s32 $0x0;
	s3 =	sand.u32 $0xF80, s1  }
0x8: {  	s9 =	simm.s32 $0x0;
	s5 =	sshrl.u32 s1, $0xC;
	p0 =	sne.s32 s3, $0x0  }
.Ltmp0:
0x9: {  	s1 =	rddreg [dreg:$0x2];
	s4 =	simm.s32 @!p0 $0x0;
	(pc) =	sbr.rel .LBB1_1-.Ltmp0, $4  }
0xa: {  	s11 =	simm.s32 $0x0;
	s3 =	rddreg [dreg:$0x1];
	s5 =	sadd.s32 s4, s5  }
0xb: {  	_ =	strace $0x8000004A;
	s4 =	simm.s32 $0x1;
	s5 =	smul.u32 $0xC8, s5  }
0xc: {  	s6 =	sadd.s32 $0xA00, s6;
	s10 =	smov.u32 s2;
	[sflag:s4] =	ssyncpa.u1 $0x0  }
0xd: {  	p0 =	por $0x0, $0x0;
	[sflag:s7] =	ssyncpa.u1 $0x0;
	s7 =	sor.u32 $0x1, s5  }
.LBB1_4:
0xe: {  	s16 =	sshll.u32 s13, $0x3;
	s17 =	sand.u32 $0x78, s13  }
0xf: {  	s30 =	sand.u32 $0x7E00, s13;
	s12 =	sshll.u32 s12, $0xF;
	s16 =	sand.u32 $0xC00, s16  }
0x10: {  	[tilespmem:s15+$0x810 ss:$0x81] =	vst.msk $0xffff, v2;
	s31 =	sand.u32 $0x7, s13;
	s16 =	sor.u32 s17, s16;
	s17 =	sadd.s32 s3, s30  }
0x11: {  	[tilespmem:s15+$0x1020 ss:$0x81] =	vst.msk $0xffff, v0;
	s13 =	sshll.u32 s31, $0x12;
	s12 =	sadd.s32 s12, s17;
	s16 =	sshrl.u32 s16, $0x3  }
0x12: {  	[tilespmem:s15+$0x0 ss:$0x81] =	vst.msk $0xffff, v1;
	s13 =	sor.u32 $0x400, s13;
	s12 =	sadd.s32 s16, s12  }
0x13: {  	[hbm4b:s12+s13] =	stream.strided.scatter [tilespmem:s14], [sflag:$0x2], $0x2000, s8, s13, $0x20;
	[tilespmem:$0x8080] =	vst v63  }
.LBB1_5:
0x14: {  	s14 =	sadd.s32 $0x1, s9  }
0x15: {  	s12 =	sadd.s32 $0x1000, s10;
	s16 =	smov.u32 s10;
	p2 =	sgt.s32 s14, $0xC7  }
0x16: {  	s16 =	smov.u32 @p2 s12  }
0x17: {  	s14 =	simm.s32 @p2 $0x0;
	p2 =	sgt.s32 s16, $0xFFF  }
0x18: {  	s16 =	smov.u32 @p2 s2;
	p2 =	sne.s32 s11, s7  }
.Ltmp1:
0x19: {  	p1 =	slt.u32 s11, $0x2;
	(pc) =	sbr.rel @!p2 .LBB1_6-.Ltmp1, $4  }
0x1a: {  	s15 =	simm.s32 @!p1 $0x2  }
0x1b: {  	s13 =	smov.u32 s10;
	p0 =	por !p0, !p0;
	_ =	swait.ge @!p1 [sflag:s15], $0x2000  }
0x1c: {  	s12 =	smov.u32 s9;
	[sflag:s15] =	ssyncset.done @!p1 $0x0;
	s9 =	smov.u32 s14  }
0x1d: {  	s11 =	sadd.s32 $0x1, s11;
	[sflag:s15] =	ssyncadd.s32 @!p1 $0xFFFFE000;
	s10 =	smov.u32 s16  }
.LBB1_1:
0x1e: {  	p1 =	sge.u32 s11, s5  }
0x1f: {  	s14 =	sand.u32 @!p1 $0x1FFFFFF, s9  }
0x20: {  	s15 =	smulhi.u32 @!p1 $0x147AE15, s14;
	_ =	sdelay $0x1  }
0x21: {  	s15 =	smul.u32 @!p1 $0xC8, s15  }
0x22: {  	s16 =	sxor.u32 @!p1 $0xFFFFFFFF, s11;
	s17 =	smul.u32 @!p1 $0xC80, s10  }
0x23: {  	s31 =	sadd.s32 $0xFFFFFFFF, s11;
	s16 =	sshll.u32 @!p1 s16, $0xD;
	s14 =	ssub.s32 @!p1 s14, s15  }
0x24: {  	s15 =	sand.u32 @!p1 $0x2000, s16;
	s16 =	sadd.s32 @!p1 s6, s17;
	s14 =	sshll.u32 @!p1 s14, $0x4  }
0x25: {  	s17 =	simm.s32 @!p1 $0x6400;
	s14 =	sadd.s32 @!p1 s14, s16;
	s16 =	simm.s32 @!p1 $0x40  }
0x26: {  	[tilespmem:s15], [sflag:$0x1] =	stream.strided.gather @!p1 [hbm4b:s14+s16], $0x2000, s17, s16, $0x38;
	[tilespmem:$0x8080] =	vst v63  }
0x27: {  	p1 =	sge.u32 s31, s5  }
.Ltmp2:
0x28: {  	_ = 	snop;
	(pc) =	sbr.rel @p1 .LBB1_5-.Ltmp2, $1  }
0x29: {  	_ =	sdelay $0x3  }
0x2a: {  	s14 =	simm.s32 $0x1  }
0x2b: {  	_ =	swait.ge [sflag:s4], $0x2000;
	s14 =	simm.s32 @!p0 $0x0  }
0x2c: {  	[sflag:s4] =	ssyncset.done $0x0;
	s15 =	sshll.u32 s14, $0xD  }
0x2d: {  	[sflag:s4] =	ssyncadd.s32 $0xFFFFE000;
	s18 =	sor.u32 $0x20, s15  }
0x2e: {  	s14 =	smul.u32 $0x8100, s14;
	v3 =	vld [tilespmem:s18+$0x10]  }
0x2f: {  	s30 =	sand.u32 $0x1, s11;
	v2 =	vld [tilespmem:s18+$0xFFFFFFF0]  }
0x30: {  	s15 =	smul.u32 $0x8100, s30;
	s14 =	sshrl.u32 s14, $0x2;
	v0 =	vld [tilespmem:s18+$0x0]  }
0x31: {  	v1 =	vld [tilespmem:s18+$0xFFFFFFE0];
	s16 =	sor.u32 $0x4000, s14  }
0x32: {  	s31 =	sshrl.u32 s15, $0x2;
	s15 =	sadd.s32 $0x0, s16  }
0x33: {  	s17 =	simm.s32 $0x4;
	s18 =	sadd.s32 $0x40, s18;
	s14 =	sor.u32 $0x4000, s31;
	[tilespmem:s15+$0x1830 ss:$0x81] =	vst.msk $0xffff, v3  }
.LBB1_3:
0x34: {  	v3 =	vld [tilespmem:s18+$0x10];
	p1 =	sne.s32 s17, $0x1FC;
	[tilespmem:s15+$0x810 ss:$0x81] =	vst.msk $0xffff, v2;
	s19 =	smov.u32 s17;
	s17 =	sadd.s32 $0x4, s17  }
.Ltmp3:
0x35: {  	v2 =	vld [tilespmem:s18+$0xFFFFFFF0];
	[tilespmem:s15+$0x1020 ss:$0x81] =	vst.msk $0xffff, v0;
	(pc) =	sbr.rel @p1 .LBB1_3-.Ltmp3, $4  }
0x36: {  	v0 =	vld [tilespmem:s18+$0x0];
	[tilespmem:s15+$0x0 ss:$0x81] =	vst.msk $0xffff, v1  }
0x37: {  	s15 =	sshra.s32 s19, $0x2;
	v1 =	vld [tilespmem:s18+$0xFFFFFFE0]  }
0x38: {  	s15 =	sadd.s32 s15, s16  }
0x39: {  	s18 =	sadd.s32 $0x40, s18;
	[tilespmem:s15+$0x1830 ss:$0x81] =	vst.msk $0xffff, v3  }
.Ltmp4:
0x3a: {  	_ = 	snop;
	(pc) =	sbr.rel .LBB1_4-.Ltmp4, $1  }
0x3b: {  	_ =	sdelay $0x3  }
.LBB1_6:
0x3c: {  	_ =	sfence.sel $0x180000  }
0x3d: {  	s2 =	simm.s32 $0x1;
	[bflag:$0x0] =	sbarrier.arrive $0xFFFF  }
0x3e: {  	s31 =	simm.s32 $0x2;
	[sflag:s2] =	ssyncpa.u1 $0x1  }
0x3f: {  	[sflag:s31] =	ssyncpa.u1 $0x1  }
0x40: {  	p0 =	sne.s32 s0, $0x0;
	_ =	strace $0x9000004A  }
0x41: {  	s0 =	sadd.s32 @!p0 $0x100000, s1;
	[bflag:$0x2] =	sbarrier.arrive $0xFFFF  }
0x42: {  	[sflag:s0] =	ssyncadd.tile.s32 @!p0 $0x1;
	_ =	shalt  }
.Lfunc_end1:
_tile_overlayer_lowered:
.L_overlay_start_2:
0x43: {  	(tag) =	ssettag $0x2  }
0x44: {  	s0 =	rddreg [dreg:$0x0];
	s2 =	stileid.u32  }
0x45: {  	s1 =	rddreg [dreg:$0x1];
	p0 =	sne.s32 s2, $0x0  }
0x46: {  	s3 =	rddreg [dreg:$0x2];
	[bflag:$0x3] =	sbarrier.arrive $0xFFFF;
	s2 =	simm.s32 @!p0 $0x1C01  }
0x47: {  	[timem:s3], [sflag:s2] =	dma.local @!p0 [hbm:s0], s1  }
0x48: {  	s0 =	simm.s32 @!p0 $0x1  }
0x49: {  	_ =	swait.ge @!p0 [sflag:s0], s1  }
0x4a: {  	s1 =	ssub.s32 @!p0 $0x0, s1;
	[sflag:s0] =	ssyncset.done @!p0 $0x0  }
0x4b: {  	[sflag:s0] =	ssyncadd.s32 @!p0 s1  }
0x4c: {  	[bflag:$0x3] =	sbarrier.arrive $0xFFFF  }
0x4d: {  	_ =	shalt  }

</sc_bundles>
